<compile_context>
chip_gen: v7x
topology: tpu7x:2x2x1
jax: 0.10.2.dev20260603
libtpu: 0.0.44.dev20260713+nightly
codegen_flags: <defaults>
</compile_context>

<pallas_src>
import functools

import jax
import jax.numpy as jnp
from jax import lax
from jax.experimental import pallas as pl
from jax.experimental.pallas import tpu as pltpu
from jax.experimental.pallas import tpu_sc as plsc

_B = 16384
_D = 64
_H = 256
_V = 100001
_NC = 2
_NS = 16
_NW = _NC * _NS
_BPW = _B // _NW
_CHUNK = 128
_NCH = _BPW // _CHUNK
_BLK = 8192


def _mesh():
    return plsc.VectorSubcoreMesh(core_axis_name="c", subcore_axis_name="s")


_FBLK = 16384
_FGRID = (_V + _FBLK - 1) // _FBLK
_FH = _FBLK // 2
_FSH = _FBLK.bit_length() - 1
_LINR = _FGRID * _FH


def _fmt_body(x_ref, o_ref):
    xt = x_ref[...].T
    o_ref[...] = jnp.concatenate([xt[0:_FH], xt[_FH:_FBLK]], axis=1)


def _tc_format(tableT):
    return pl.pallas_call(
        _fmt_body,
        grid=(_FGRID,),
        in_specs=[pl.BlockSpec((_D, _FBLK), lambda i: (0, i))],
        out_specs=pl.BlockSpec((_FH, 128), lambda i: (i, 0)),
        out_shape=jax.ShapeDtypeStruct((_LINR, 128), jnp.float32),
    )(tableT)


def _sc_gather(lin, labels):

    @functools.partial(
        pl.kernel,
        mesh=_mesh(),
        out_type=jax.ShapeDtypeStruct((_B, 128), jnp.float32),
        scratch_types=[
            pltpu.VMEM((_BPW,), jnp.int32),
            pltpu.VMEM((_BPW,), jnp.int32),
            pltpu.VMEM((_BPW, 128), jnp.float32),
            pltpu.SemaphoreType.DMA,
        ],
        compiler_params=pltpu.CompilerParams(needs_layout_passes=False),
    )
    def k(lin_hbm, lab_hbm, out_hbm, lab_v, pidx_v, rows_v, sem):
        w = lax.axis_index("s") * _NC + lax.axis_index("c")
        base = w * _BPW
        pltpu.sync_copy(lab_hbm.at[pl.ds(base, _BPW)], lab_v)
        for t in range(_BPW // 16):
            lv = lab_v[pl.ds(16 * t, 16)]
            pidx_v[pl.ds(16 * t, 16)] = ((lv >> _FSH) << (_FSH - 1)) + (
                lv & (_FH - 1)
            )
        copies = []
        for j in range(_NCH):
            copies.append(
                pltpu.async_copy(
                    lin_hbm.at[pidx_v.at[pl.ds(j * _CHUNK, _CHUNK)]],
                    rows_v.at[pl.ds(j * _CHUNK, _CHUNK)],
                    sem,
                )
            )
        for c in copies:
            c.wait()
        pltpu.sync_copy(rows_v, out_hbm.at[pl.ds(base, _BPW)])

    return k(lin, labels)


def _mlp_body(x_ref, lab_ref, w1_ref, b1_ref, w2t_ref, b2t_ref, o_ref):
    x = x_ref[...]
    half = (lab_ref[...].reshape(_BLK, 1) >> (_FSH - 1)) & 1
    e = jnp.where(half == 1, x[:, _D:2 * _D], x[:, 0:_D])
    h = jnp.dot(e, w1_ref[...], preferred_element_type=jnp.float32)
    h = h + b1_ref[...]
    h = h * jax.nn.sigmoid(h)
    ot = lax.dot_general(
        w2t_ref[...], h, (((1,), (1,)), ((), ())),
        preferred_element_type=jnp.float32,
    )
    o_ref[...] = ot + b2t_ref[...]


def _tc_mlp(emb128, labels3, W1, b1, W2, b2):
    grid = (_B // _BLK,)
    return pl.pallas_call(
        _mlp_body,
        grid=grid,
        in_specs=[
            pl.BlockSpec((_BLK, 128), lambda i: (i, 0)),
            pl.BlockSpec((1, 1, _BLK), lambda i: (i, 0, 0)),
            pl.BlockSpec((_D, _H), lambda i: (0, 0)),
            pl.BlockSpec((1, _H), lambda i: (0, 0)),
            pl.BlockSpec((_D, _H), lambda i: (0, 0)),
            pl.BlockSpec((_D, 1), lambda i: (0, 0)),
        ],
        out_specs=pl.BlockSpec((_D, _BLK), lambda i: (0, i)),
        out_shape=jax.ShapeDtypeStruct((_D, _B), jnp.float32),
    )(emb128, labels3, W1, b1, W2, b2)


def kernel(class_labels, table, W1, b1, W2, b2):
    labels = class_labels.astype(jnp.int32)
    lin = _tc_format(table.T)
    emb128 = _sc_gather(lin, labels)
    labels3 = labels.reshape(_B // _BLK, 1, _BLK)
    outT = _tc_mlp(
        emb128, labels3, W1, b1.reshape(1, _H), W2.T, b2.reshape(_D, 1)
    )
    return outT.T

# --- scband reference (transcript-rebuilt; emitter-appended) ---
"""Pipeline reference for scband-class-embedding-53609781789327 (READ-ONLY COPY).

The authoritative reference and input builder live on the scoring server;
editing this copy changes nothing except your own understanding.
"""

import jax, jax.numpy as jnp
import numpy as np

NUM_CLASSES = 100000
EMBED_DIM = 64
BATCH = 16384


def setup_inputs(seed: int = 0) -> dict:
    key = jax.random.key(seed)
    k_lab, k_tab, k_w1, k_b1, k_w2, k_b2 = jax.random.split(key, 6)
    class_labels = jax.random.randint(k_lab, (BATCH,), 0, NUM_CLASSES, dtype=jnp.int64 if jax.config.jax_enable_x64 else jnp.int32)
    # embedding table sized (num_classes + 1, embed_dim), init std=0.02 like torch
    table = jax.random.normal(k_tab, (NUM_CLASSES + 1, EMBED_DIM), dtype=jnp.float32) * 0.02
    # MLP params: Linear(embed_dim, embed_dim*4) then Linear(embed_dim*4, embed_dim)
    hid = EMBED_DIM * 4
    lim1 = 1.0 / np.sqrt(EMBED_DIM)
    lim2 = 1.0 / np.sqrt(hid)
    W1 = jax.random.uniform(k_w1, (EMBED_DIM, hid), dtype=jnp.float32, minval=-lim1, maxval=lim1)
    b1 = jax.random.uniform(k_b1, (hid,), dtype=jnp.float32, minval=-lim1, maxval=lim1)
    W2 = jax.random.uniform(k_w2, (hid, EMBED_DIM), dtype=jnp.float32, minval=-lim2, maxval=lim2)
    b2 = jax.random.uniform(k_b2, (EMBED_DIM,), dtype=jnp.float32, minval=-lim2, maxval=lim2)
    return {"class_labels": class_labels, "table": table, "W1": W1, "b1": b1, "W2": W2, "b2": b2}


def reference(class_labels, table, W1, b1, W2, b2):
    # eval mode: no dropout masking, force_drop=False
    emb = jnp.take(table, class_labels, axis=0)  # (B, embed_dim) gather
    h = emb @ W1 + b1
    h = jax.nn.silu(h)
    out = h @ W2 + b2
    return out

if __name__ == "__main__":
    import jax
    _d = setup_inputs()
    print(jax.jit(kernel)(*tuple(_d.values())))

</pallas_src>

<mosaic_0001>
#map = affine_map<(d0, d1) -> (0, 0)>
#map1 = affine_map<(d0, d1) -> (0)>
module attributes {stable_mosaic.version = 14 : i64} {
  func.func @k(%arg0: i32, %arg1: i32, %arg2: memref<57344x128xf32, #tpu.memory_space<hbm>>, %arg3: memref<16384xi32, #tpu.memory_space<hbm>>, %arg4: memref<16384x128xf32, #tpu.memory_space<hbm>>, %arg5: memref<512xi32, #tpu.memory_space<vmem>>, %arg6: memref<512xi32, #tpu.memory_space<vmem>>, %arg7: memref<512x128xf32, #tpu.memory_space<vmem>>, %arg8: memref<!tpu.dma_semaphore, #tpu.memory_space<semaphore_mem>>) attributes {dimension_semantics = [#tpu.dimension_semantics<core_parallel>, #tpu.dimension_semantics<subcore_parallel>], iteration_bounds = array<i64: 2, 16>, scalar_prefetch = 0 : i64, scratch_operands = 4 : i64, tpu.core_type = #tpu.core_type<sc_vector_subcore>, window_params = [{transform_indices = #map}, {transform_indices = #map1}, {transform_indices = #map}]} {
    %mul3A = arith.constant 2 : i32
    %mul3A_0 = arith.muli %arg1, %mul3A : i32
    %add3A = arith.addi %mul3A_0, %arg0 : i32
    %mul3A_1 = arith.constant 512 : i32
    %mul3A_2 = arith.muli %add3A, %mul3A_1 : i32
    "tpu.region"() ({
      %run_scoped3A = tpu.sem_alloc : memref<!tpu.dma_semaphore, #tpu.memory_space<semaphore_mem>>
      %dma_start3A_508 = tpu.memref_slice %arg3[%mul3A_2] : memref<16384xi32, #tpu.memory_space<hbm>> -> memref<512xi32, #tpu.memory_space<hbm>>
      %dma_start3A_509 = tpu.memref_slice %arg3[%mul3A_2] : memref<16384xi32, #tpu.memory_space<hbm>> -> memref<512xi32, #tpu.memory_space<hbm>>
      tpu.enqueue_dma source(%dma_start3A_509 : memref<512xi32, #tpu.memory_space<hbm>>) target(%arg5 : memref<512xi32, #tpu.memory_space<vmem>>) target_semaphore(%run_scoped3A : memref<!tpu.dma_semaphore, #tpu.memory_space<semaphore_mem>>)
      %dma_wait3A_510 = tpu.memref_slice %arg3[%mul3A_2] : memref<16384xi32, #tpu.memory_space<hbm>> -> memref<512xi32, #tpu.memory_space<hbm>>
      %dma_wait3A_511 = tpu.memref_slice %arg3[%mul3A_2] : memref<16384xi32, #tpu.memory_space<hbm>> -> memref<512xi32, #tpu.memory_space<hbm>>
      tpu.wait_dma2 semaphore(%run_scoped3A : memref<!tpu.dma_semaphore, #tpu.memory_space<semaphore_mem>>) src(%dma_wait3A_511 : memref<512xi32, #tpu.memory_space<hbm>>) dst(%arg5 : memref<512xi32, #tpu.memory_space<vmem>>)
      tpu.yield
    }) : () -> ()
    %get3A = arith.constant 0 : index
    %get3A_3 = tpu.vector_load %arg5[%get3A] {strides = array<i32>} : memref<512xi32, #tpu.memory_space<vmem>>, vector<16xi32>,
    %shift_right_arithmetic3A = arith.constant 14 : i32
    %shift_right_arithmetic3A_4 = vector.broadcast %shift_right_arithmetic3A : i32 to vector<16xi32>
    %shift_right_arithmetic3A_5 = arith.shrsi %get3A_3, %shift_right_arithmetic3A_4 : vector<16xi32>
    %shift_left3A = arith.constant 13 : i32
    %shift_left3A_6 = vector.broadcast %shift_left3A : i32 to vector<16xi32>
    %shift_left3A_7 = arith.shli %shift_right_arithmetic3A_5, %shift_left3A_6 : vector<16xi32>
    %and3A = arith.constant 8191 : i32
    %and3A_8 = vector.broadcast %and3A : i32 to vector<16xi32>
    %and3A_9 = arith.andi %get3A_3, %and3A_8 : vector<16xi32>
    %add3A_10 = arith.addi %shift_left3A_7, %and3A_9 : vector<16xi32>
    %swap3A = arith.constant 0 : index
    %swap3A_11 = tpu.vector_load %arg6[%swap3A] {strides = array<i32>} : memref<512xi32, #tpu.memory_space<vmem>>, vector<16xi32>,
    tpu.vector_store %arg6[%swap3A], %add3A_10 {strides = array<i32>} : memref<512xi32, #tpu.memory_space<vmem>>, vector<16xi32>,
    %get3A_12 = arith.constant 16 : index
    %get3A_13 = tpu.vector_load %arg5[%get3A_12] {strides = array<i32>} : memref<512xi32, #tpu.memory_space<vmem>>, vector<16xi32>,
    %shift_right_arithmetic3A_14 = arith.constant 14 : i32
    %shift_right_arithmetic3A_15 = vector.broadcast %shift_right_arithmetic3A_14 : i32 to vector<16xi32>
    %shift_right_arithmetic3A_16 = arith.shrsi %get3A_13, %shift_right_arithmetic3A_15 : vector<16xi32>
    %shift_left3A_17 = arith.constant 13 : i32
    %shift_left3A_18 = vector.broadcast %shift_left3A_17 : i32 to vector<16xi32>
    %shift_left3A_19 = arith.shli %shift_right_arithmetic3A_16, %shift_left3A_18 : vector<16xi32>
    %and3A_20 = arith.constant 8191 : i32
    %and3A_21 = vector.broadcast %and3A_20 : i32 to vector<16xi32>
    %and3A_22 = arith.andi %get3A_13, %and3A_21 : vector<16xi32>
    %add3A_23 = arith.addi %shift_left3A_19, %and3A_22 : vector<16xi32>
    %swap3A_24 = arith.constant 16 : index
    %swap3A_25 = tpu.vector_load %arg6[%swap3A_24] {strides = array<i32>} : memref<512xi32, #tpu.memory_space<vmem>>, vector<16xi32>,
    tpu.vector_store %arg6[%swap3A_24], %add3A_23 {strides = array<i32>} : memref<512xi32, #tpu.memory_space<vmem>>, vector<16xi32>,
    %get3A_26 = arith.constant 32 : index
    %get3A_27 = tpu.vector_load %arg5[%get3A_26] {strides = array<i32>} : memref<512xi32, #tpu.memory_space<vmem>>, vector<16xi32>,
    %shift_right_arithmetic3A_28 = arith.constant 14 : i32
    %shift_right_arithmetic3A_29 = vector.broadcast %shift_right_arithmetic3A_28 : i32 to vector<16xi32>
    %shift_right_arithmetic3A_30 = arith.shrsi %get3A_27, %shift_right_arithmetic3A_29 : vector<16xi32>
    %shift_left3A_31 = arith.constant 13 : i32
    %shift_left3A_32 = vector.broadcast %shift_left3A_31 : i32 to vector<16xi32>
    %shift_left3A_33 = arith.shli %shift_right_arithmetic3A_30, %shift_left3A_32 : vector<16xi32>
    %and3A_34 = arith.constant 8191 : i32
    %and3A_35 = vector.broadcast %and3A_34 : i32 to vector<16xi32>
    %and3A_36 = arith.andi %get3A_27, %and3A_35 : vector<16xi32>
    %add3A_37 = arith.addi %shift_left3A_33, %and3A_36 : vector<16xi32>
    %swap3A_38 = arith.constant 32 : index
    %swap3A_39 = tpu.vector_load %arg6[%swap3A_38] {strides = array<i32>} : memref<512xi32, #tpu.memory_space<vmem>>, vector<16xi32>,
    tpu.vector_store %arg6[%swap3A_38], %add3A_37 {strides = array<i32>} : memref<512xi32, #tpu.memory_space<vmem>>, vector<16xi32>,
    %get3A_40 = arith.constant 48 : index
    %get3A_41 = tpu.vector_load %arg5[%get3A_40] {strides = array<i32>} : memref<512xi32, #tpu.memory_space<vmem>>, vector<16xi32>,
    %shift_right_arithmetic3A_42 = arith.constant 14 : i32
    %shift_right_arithmetic3A_43 = vector.broadcast %shift_right_arithmetic3A_42 : i32 to vector<16xi32>
    %shift_right_arithmetic3A_44 = arith.shrsi %get3A_41, %shift_right_arithmetic3A_43 : vector<16xi32>
    %shift_left3A_45 = arith.constant 13 : i32
    %shift_left3A_46 = vector.broadcast %shift_left3A_45 : i32 to vector<16xi32>
    %shift_left3A_47 = arith.shli %shift_right_arithmetic3A_44, %shift_left3A_46 : vector<16xi32>
    %and3A_48 = arith.constant 8191 : i32
    %and3A_49 = vector.broadcast %and3A_48 : i32 to vector<16xi32>
    %and3A_50 = arith.andi %get3A_41, %and3A_49 : vector<16xi32>
    %add3A_51 = arith.addi %shift_left3A_47, %and3A_50 : vector<16xi32>
    %swap3A_52 = arith.constant 48 : index
    %swap3A_53 = tpu.vector_load %arg6[%swap3A_52] {strides = array<i32>} : memref<512xi32, #tpu.memory_space<vmem>>, vector<16xi32>,
    tpu.vector_store %arg6[%swap3A_52], %add3A_51 {strides = array<i32>} : memref<512xi32, #tpu.memory_space<vmem>>, vector<16xi32>,
    %get3A_54 = arith.constant 64 : index
    %get3A_55 = tpu.vector_load %arg5[%get3A_54] {strides = array<i32>} : memref<512xi32, #tpu.memory_space<vmem>>, vector<16xi32>,
    %shift_right_arithmetic3A_56 = arith.constant 14 : i32
    %shift_right_arithmetic3A_57 = vector.broadcast %shift_right_arithmetic3A_56 : i32 to vector<16xi32>
    %shift_right_arithmetic3A_58 = arith.shrsi %get3A_55, %shift_right_arithmetic3A_57 : vector<16xi32>
    %shift_left3A_59 = arith.constant 13 : i32
    %shift_left3A_60 = vector.broadcast %shift_left3A_59 : i32 to vector<16xi32>
    %shift_left3A_61 = arith.shli %shift_right_arithmetic3A_58, %shift_left3A_60 : vector<16xi32>
    %and3A_62 = arith.constant 8191 : i32
    %and3A_63 = vector.broadcast %and3A_62 : i32 to vector<16xi32>
    %and3A_64 = arith.andi %get3A_55, %and3A_63 : vector<16xi32>
    %add3A_65 = arith.addi %shift_left3A_61, %and3A_64 : vector<16xi32>
    %swap3A_66 = arith.constant 64 : index
    %swap3A_67 = tpu.vector_load %arg6[%swap3A_66] {strides = array<i32>} : memref<512xi32, #tpu.memory_space<vmem>>, vector<16xi32>,
    tpu.vector_store %arg6[%swap3A_66], %add3A_65 {strides = array<i32>} : memref<512xi32, #tpu.memory_space<vmem>>, vector<16xi32>,
    %get3A_68 = arith.constant 80 : index
    %get3A_69 = tpu.vector_load %arg5[%get3A_68] {strides = array<i32>} : memref<512xi32, #tpu.memory_space<vmem>>, vector<16xi32>,
    %shift_right_arithmetic3A_70 = arith.constant 14 : i32
    %shift_right_arithmetic3A_71 = vector.broadcast %shift_right_arithmetic3A_70 : i32 to vector<16xi32>
    %shift_right_arithmetic3A_72 = arith.shrsi %get3A_69, %shift_right_arithmetic3A_71 : vector<16xi32>
    %shift_left3A_73 = arith.constant 13 : i32
    %shift_left3A_74 = vector.broadcast %shift_left3A_73 : i32 to vector<16xi32>
    %shift_left3A_75 = arith.shli %shift_right_arithmetic3A_72, %shift_left3A_74 : vector<16xi32>
    %and3A_76 = arith.constant 8191 : i32
    %and3A_77 = vector.broadcast %and3A_76 : i32 to vector<16xi32>
    %and3A_78 = arith.andi %get3A_69, %and3A_77 : vector<16xi32>
    %add3A_79 = arith.addi %shift_left3A_75, %and3A_78 : vector<16xi32>
    %swap3A_80 = arith.constant 80 : index
    %swap3A_81 = tpu.vector_load %arg6[%swap3A_80] {strides = array<i32>} : memref<512xi32, #tpu.memory_space<vmem>>, vector<16xi32>,
    tpu.vector_store %arg6[%swap3A_80], %add3A_79 {strides = array<i32>} : memref<512xi32, #tpu.memory_space<vmem>>, vector<16xi32>,
    %get3A_82 = arith.constant 96 : index
    %get3A_83 = tpu.vector_load %arg5[%get3A_82] {strides = array<i32>} : memref<512xi32, #tpu.memory_space<vmem>>, vector<16xi32>,
    %shift_right_arithmetic3A_84 = arith.constant 14 : i32
    %shift_right_arithmetic3A_85 = vector.broadcast %shift_right_arithmetic3A_84 : i32 to vector<16xi32>
    %shift_right_arithmetic3A_86 = arith.shrsi %get3A_83, %shift_right_arithmetic3A_85 : vector<16xi32>
    %shift_left3A_87 = arith.constant 13 : i32
    %shift_left3A_88 = vector.broadcast %shift_left3A_87 : i32 to vector<16xi32>
    %shift_left3A_89 = arith.shli %shift_right_arithmetic3A_86, %shift_left3A_88 : vector<16xi32>
    %and3A_90 = arith.constant 8191 : i32
    %and3A_91 = vector.broadcast %and3A_90 : i32 to vector<16xi32>
    %and3A_92 = arith.andi %get3A_83, %and3A_91 : vector<16xi32>
    %add3A_93 = arith.addi %shift_left3A_89, %and3A_92 : vector<16xi32>
    %swap3A_94 = arith.constant 96 : index
    %swap3A_95 = tpu.vector_load %arg6[%swap3A_94] {strides = array<i32>} : memref<512xi32, #tpu.memory_space<vmem>>, vector<16xi32>,
    tpu.vector_store %arg6[%swap3A_94], %add3A_93 {strides = array<i32>} : memref<512xi32, #tpu.memory_space<vmem>>, vector<16xi32>,
    %get3A_96 = arith.constant 112 : index
    %get3A_97 = tpu.vector_load %arg5[%get3A_96] {strides = array<i32>} : memref<512xi32, #tpu.memory_space<vmem>>, vector<16xi32>,
    %shift_right_arithmetic3A_98 = arith.constant 14 : i32
    %shift_right_arithmetic3A_99 = vector.broadcast %shift_right_arithmetic3A_98 : i32 to vector<16xi32>
    %shift_right_arithmetic3A_100 = arith.shrsi %get3A_97, %shift_right_arithmetic3A_99 : vector<16xi32>
    %shift_left3A_101 = arith.constant 13 : i32
    %shift_left3A_102 = vector.broadcast %shift_left3A_101 : i32 to vector<16xi32>
    %shift_left3A_103 = arith.shli %shift_right_arithmetic3A_100, %shift_left3A_102 : vector<16xi32>
    %and3A_104 = arith.constant 8191 : i32
    %and3A_105 = vector.broadcast %and3A_104 : i32 to vector<16xi32>
    %and3A_106 = arith.andi %get3A_97, %and3A_105 : vector<16xi32>
    %add3A_107 = arith.addi %shift_left3A_103, %and3A_106 : vector<16xi32>
    %swap3A_108 = arith.constant 112 : index
    %swap3A_109 = tpu.vector_load %arg6[%swap3A_108] {strides = array<i32>} : memref<512xi32, #tpu.memory_space<vmem>>, vector<16xi32>,
    tpu.vector_store %arg6[%swap3A_108], %add3A_107 {strides = array<i32>} : memref<512xi32, #tpu.memory_space<vmem>>, vector<16xi32>,
    %get3A_110 = arith.constant 128 : index
    %get3A_111 = tpu.vector_load %arg5[%get3A_110] {strides = array<i32>} : memref<512xi32, #tpu.memory_space<vmem>>, vector<16xi32>,
    %shift_right_arithmetic3A_112 = arith.constant 14 : i32
    %shift_right_arithmetic3A_113 = vector.broadcast %shift_right_arithmetic3A_112 : i32 to vector<16xi32>
    %shift_right_arithmetic3A_114 = arith.shrsi %get3A_111, %shift_right_arithmetic3A_113 : vector<16xi32>
    %shift_left3A_115 = arith.constant 13 : i32
    %shift_left3A_116 = vector.broadcast %shift_left3A_115 : i32 to vector<16xi32>
    %shift_left3A_117 = arith.shli %shift_right_arithmetic3A_114, %shift_left3A_116 : vector<16xi32>
    %and3A_118 = arith.constant 8191 : i32
    %and3A_119 = vector.broadcast %and3A_118 : i32 to vector<16xi32>
    %and3A_120 = arith.andi %get3A_111, %and3A_119 : vector<16xi32>
    %add3A_121 = arith.addi %shift_left3A_117, %and3A_120 : vector<16xi32>
    %swap3A_122 = arith.constant 128 : index
    %swap3A_123 = tpu.vector_load %arg6[%swap3A_122] {strides = array<i32>} : memref<512xi32, #tpu.memory_space<vmem>>, vector<16xi32>,
    tpu.vector_store %arg6[%swap3A_122], %add3A_121 {strides = array<i32>} : memref<512xi32, #tpu.memory_space<vmem>>, vector<16xi32>,
    %get3A_124 = arith.constant 144 : index
    %get3A_125 = tpu.vector_load %arg5[%get3A_124] {strides = array<i32>} : memref<512xi32, #tpu.memory_space<vmem>>, vector<16xi32>,
    %shift_right_arithmetic3A_126 = arith.constant 14 : i32
    %shift_right_arithmetic3A_127 = vector.broadcast %shift_right_arithmetic3A_126 : i32 to vector<16xi32>
    %shift_right_arithmetic3A_128 = arith.shrsi %get3A_125, %shift_right_arithmetic3A_127 : vector<16xi32>
    %shift_left3A_129 = arith.constant 13 : i32
    %shift_left3A_130 = vector.broadcast %shift_left3A_129 : i32 to vector<16xi32>
    %shift_left3A_131 = arith.shli %shift_right_arithmetic3A_128, %shift_left3A_130 : vector<16xi32>
    %and3A_132 = arith.constant 8191 : i32
    %and3A_133 = vector.broadcast %and3A_132 : i32 to vector<16xi32>
    %and3A_134 = arith.andi %get3A_125, %and3A_133 : vector<16xi32>
    %add3A_135 = arith.addi %shift_left3A_131, %and3A_134 : vector<16xi32>
    %swap3A_136 = arith.constant 144 : index
    %swap3A_137 = tpu.vector_load %arg6[%swap3A_136] {strides = array<i32>} : memref<512xi32, #tpu.memory_space<vmem>>, vector<16xi32>,
    tpu.vector_store %arg6[%swap3A_136], %add3A_135 {strides = array<i32>} : memref<512xi32, #tpu.memory_space<vmem>>, vector<16xi32>,
    %get3A_138 = arith.constant 160 : index
    %get3A_139 = tpu.vector_load %arg5[%get3A_138] {strides = array<i32>} : memref<512xi32, #tpu.memory_space<vmem>>, vector<16xi32>,
    %shift_right_arithmetic3A_140 = arith.constant 14 : i32
    %shift_right_arithmetic3A_141 = vector.broadcast %shift_right_arithmetic3A_140 : i32 to vector<16xi32>
    %shift_right_arithmetic3A_142 = arith.shrsi %get3A_139, %shift_right_arithmetic3A_141 : vector<16xi32>
    %shift_left3A_143 = arith.constant 13 : i32
    %shift_left3A_144 = vector.broadcast %shift_left3A_143 : i32 to vector<16xi32>
    %shift_left3A_145 = arith.shli %shift_right_arithmetic3A_142, %shift_left3A_144 : vector<16xi32>
    %and3A_146 = arith.constant 8191 : i32
    %and3A_147 = vector.broadcast %and3A_146 : i32 to vector<16xi32>
    %and3A_148 = arith.andi %get3A_139, %and3A_147 : vector<16xi32>
    %add3A_149 = arith.addi %shift_left3A_145, %and3A_148 : vector<16xi32>
    %swap3A_150 = arith.constant 160 : index
    %swap3A_151 = tpu.vector_load %arg6[%swap3A_150] {strides = array<i32>} : memref<512xi32, #tpu.memory_space<vmem>>, vector<16xi32>,
    tpu.vector_store %arg6[%swap3A_150], %add3A_149 {strides = array<i32>} : memref<512xi32, #tpu.memory_space<vmem>>, vector<16xi32>,
    %get3A_152 = arith.constant 176 : index
    %get3A_153 = tpu.vector_load %arg5[%get3A_152] {strides = array<i32>} : memref<512xi32, #tpu.memory_space<vmem>>, vector<16xi32>,
    %shift_right_arithmetic3A_154 = arith.constant 14 : i32
    %shift_right_arithmetic3A_155 = vector.broadcast %shift_right_arithmetic3A_154 : i32 to vector<16xi32>
    %shift_right_arithmetic3A_156 = arith.shrsi %get3A_153, %shift_right_arithmetic3A_155 : vector<16xi32>
    %shift_left3A_157 = arith.constant 13 : i32
    %shift_left3A_158 = vector.broadcast %shift_left3A_157 : i32 to vector<16xi32>
    %shift_left3A_159 = arith.shli %shift_right_arithmetic3A_156, %shift_left3A_158 : vector<16xi32>
    %and3A_160 = arith.constant 8191 : i32
    %and3A_161 = vector.broadcast %and3A_160 : i32 to vector<16xi32>
    %and3A_162 = arith.andi %get3A_153, %and3A_161 : vector<16xi32>
    %add3A_163 = arith.addi %shift_left3A_159, %and3A_162 : vector<16xi32>
    %swap3A_164 = arith.constant 176 : index
    %swap3A_165 = tpu.vector_load %arg6[%swap3A_164] {strides = array<i32>} : memref<512xi32, #tpu.memory_space<vmem>>, vector<16xi32>,
    tpu.vector_store %arg6[%swap3A_164], %add3A_163 {strides = array<i32>} : memref<512xi32, #tpu.memory_space<vmem>>, vector<16xi32>,
    %get3A_166 = arith.constant 192 : index
    %get3A_167 = tpu.vector_load %arg5[%get3A_166] {strides = array<i32>} : memref<512xi32, #tpu.memory_space<vmem>>, vector<16xi32>,
    %shift_right_arithmetic3A_168 = arith.constant 14 : i32
    %shift_right_arithmetic3A_169 = vector.broadcast %shift_right_arithmetic3A_168 : i32 to vector<16xi32>
    %shift_right_arithmetic3A_170 = arith.shrsi %get3A_167, %shift_right_arithmetic3A_169 : vector<16xi32>
    %shift_left3A_171 = arith.constant 13 : i32
    %shift_left3A_172 = vector.broadcast %shift_left3A_171 : i32 to vector<16xi32>
    %shift_left3A_173 = arith.shli %shift_right_arithmetic3A_170, %shift_left3A_172 : vector<16xi32>
    %and3A_174 = arith.constant 8191 : i32
    %and3A_175 = vector.broadcast %and3A_174 : i32 to vector<16xi32>
    %and3A_176 = arith.andi %get3A_167, %and3A_175 : vector<16xi32>
    %add3A_177 = arith.addi %shift_left3A_173, %and3A_176 : vector<16xi32>
    %swap3A_178 = arith.constant 192 : index
    %swap3A_179 = tpu.vector_load %arg6[%swap3A_178] {strides = array<i32>} : memref<512xi32, #tpu.memory_space<vmem>>, vector<16xi32>,
    tpu.vector_store %arg6[%swap3A_178], %add3A_177 {strides = array<i32>} : memref<512xi32, #tpu.memory_space<vmem>>, vector<16xi32>,
    %get3A_180 = arith.constant 208 : index
    %get3A_181 = tpu.vector_load %arg5[%get3A_180] {strides = array<i32>} : memref<512xi32, #tpu.memory_space<vmem>>, vector<16xi32>,
    %shift_right_arithmetic3A_182 = arith.constant 14 : i32
    %shift_right_arithmetic3A_183 = vector.broadcast %shift_right_arithmetic3A_182 : i32 to vector<16xi32>
    %shift_right_arithmetic3A_184 = arith.shrsi %get3A_181, %shift_right_arithmetic3A_183 : vector<16xi32>
    %shift_left3A_185 = arith.constant 13 : i32
    %shift_left3A_186 = vector.broadcast %shift_left3A_185 : i32 to vector<16xi32>
    %shift_left3A_187 = arith.shli %shift_right_arithmetic3A_184, %shift_left3A_186 : vector<16xi32>
    %and3A_188 = arith.constant 8191 : i32
    %and3A_189 = vector.broadcast %and3A_188 : i32 to vector<16xi32>
    %and3A_190 = arith.andi %get3A_181, %and3A_189 : vector<16xi32>
    %add3A_191 = arith.addi %shift_left3A_187, %and3A_190 : vector<16xi32>
    %swap3A_192 = arith.constant 208 : index
    %swap3A_193 = tpu.vector_load %arg6[%swap3A_192] {strides = array<i32>} : memref<512xi32, #tpu.memory_space<vmem>>, vector<16xi32>,
    tpu.vector_store %arg6[%swap3A_192], %add3A_191 {strides = array<i32>} : memref<512xi32, #tpu.memory_space<vmem>>, vector<16xi32>,
    %get3A_194 = arith.constant 224 : index
    %get3A_195 = tpu.vector_load %arg5[%get3A_194] {strides = array<i32>} : memref<512xi32, #tpu.memory_space<vmem>>, vector<16xi32>,
    %shift_right_arithmetic3A_196 = arith.constant 14 : i32
    %shift_right_arithmetic3A_197 = vector.broadcast %shift_right_arithmetic3A_196 : i32 to vector<16xi32>
    %shift_right_arithmetic3A_198 = arith.shrsi %get3A_195, %shift_right_arithmetic3A_197 : vector<16xi32>
    %shift_left3A_199 = arith.constant 13 : i32
    %shift_left3A_200 = vector.broadcast %shift_left3A_199 : i32 to vector<16xi32>
    %shift_left3A_201 = arith.shli %shift_right_arithmetic3A_198, %shift_left3A_200 : vector<16xi32>
    %and3A_202 = arith.constant 8191 : i32
    %and3A_203 = vector.broadcast %and3A_202 : i32 to vector<16xi32>
    %and3A_204 = arith.andi %get3A_195, %and3A_203 : vector<16xi32>
    %add3A_205 = arith.addi %shift_left3A_201, %and3A_204 : vector<16xi32>
    %swap3A_206 = arith.constant 224 : index
    %swap3A_207 = tpu.vector_load %arg6[%swap3A_206] {strides = array<i32>} : memref<512xi32, #tpu.memory_space<vmem>>, vector<16xi32>,
    tpu.vector_store %arg6[%swap3A_206], %add3A_205 {strides = array<i32>} : memref<512xi32, #tpu.memory_space<vmem>>, vector<16xi32>,
    %get3A_208 = arith.constant 240 : index
    %get3A_209 = tpu.vector_load %arg5[%get3A_208] {strides = array<i32>} : memref<512xi32, #tpu.memory_space<vmem>>, vector<16xi32>,
    %shift_right_arithmetic3A_210 = arith.constant 14 : i32
    %shift_right_arithmetic3A_211 = vector.broadcast %shift_right_arithmetic3A_210 : i32 to vector<16xi32>
    %shift_right_arithmetic3A_212 = arith.shrsi %get3A_209, %shift_right_arithmetic3A_211 : vector<16xi32>
    %shift_left3A_213 = arith.constant 13 : i32
    %shift_left3A_214 = vector.broadcast %shift_left3A_213 : i32 to vector<16xi32>
    %shift_left3A_215 = arith.shli %shift_right_arithmetic3A_212, %shift_left3A_214 : vector<16xi32>
    %and3A_216 = arith.constant 8191 : i32
    %and3A_217 = vector.broadcast %and3A_216 : i32 to vector<16xi32>
    %and3A_218 = arith.andi %get3A_209, %and3A_217 : vector<16xi32>
    %add3A_219 = arith.addi %shift_left3A_215, %and3A_218 : vector<16xi32>
    %swap3A_220 = arith.constant 240 : index
    %swap3A_221 = tpu.vector_load %arg6[%swap3A_220] {strides = array<i32>} : memref<512xi32, #tpu.memory_space<vmem>>, vector<16xi32>,
    tpu.vector_store %arg6[%swap3A_220], %add3A_219 {strides = array<i32>} : memref<512xi32, #tpu.memory_space<vmem>>, vector<16xi32>,
    %get3A_222 = arith.constant 256 : index
    %get3A_223 = tpu.vector_load %arg5[%get3A_222] {strides = array<i32>} : memref<512xi32, #tpu.memory_space<vmem>>, vector<16xi32>,
    %shift_right_arithmetic3A_224 = arith.constant 14 : i32
    %shift_right_arithmetic3A_225 = vector.broadcast %shift_right_arithmetic3A_224 : i32 to vector<16xi32>
    %shift_right_arithmetic3A_226 = arith.shrsi %get3A_223, %shift_right_arithmetic3A_225 : vector<16xi32>
    %shift_left3A_227 = arith.constant 13 : i32
    %shift_left3A_228 = vector.broadcast %shift_left3A_227 : i32 to vector<16xi32>
    %shift_left3A_229 = arith.shli %shift_right_arithmetic3A_226, %shift_left3A_228 : vector<16xi32>
    %and3A_230 = arith.constant 8191 : i32
    %and3A_231 = vector.broadcast %and3A_230 : i32 to vector<16xi32>
    %and3A_232 = arith.andi %get3A_223, %and3A_231 : vector<16xi32>
    %add3A_233 = arith.addi %shift_left3A_229, %and3A_232 : vector<16xi32>
    %swap3A_234 = arith.constant 256 : index
    %swap3A_235 = tpu.vector_load %arg6[%swap3A_234] {strides = array<i32>} : memref<512xi32, #tpu.memory_space<vmem>>, vector<16xi32>,
    tpu.vector_store %arg6[%swap3A_234], %add3A_233 {strides = array<i32>} : memref<512xi32, #tpu.memory_space<vmem>>, vector<16xi32>,
    %get3A_236 = arith.constant 272 : index
    %get3A_237 = tpu.vector_load %arg5[%get3A_236] {strides = array<i32>} : memref<512xi32, #tpu.memory_space<vmem>>, vector<16xi32>,
    %shift_right_arithmetic3A_238 = arith.constant 14 : i32
    %shift_right_arithmetic3A_239 = vector.broadcast %shift_right_arithmetic3A_238 : i32 to vector<16xi32>
    %shift_right_arithmetic3A_240 = arith.shrsi %get3A_237, %shift_right_arithmetic3A_239 : vector<16xi32>
    %shift_left3A_241 = arith.constant 13 : i32
    %shift_left3A_242 = vector.broadcast %shift_left3A_241 : i32 to vector<16xi32>
    %shift_left3A_243 = arith.shli %shift_right_arithmetic3A_240, %shift_left3A_242 : vector<16xi32>
    %and3A_244 = arith.constant 8191 : i32
    %and3A_245 = vector.broadcast %and3A_244 : i32 to vector<16xi32>
    %and3A_246 = arith.andi %get3A_237, %and3A_245 : vector<16xi32>
    %add3A_247 = arith.addi %shift_left3A_243, %and3A_246 : vector<16xi32>
    %swap3A_248 = arith.constant 272 : index
    %swap3A_249 = tpu.vector_load %arg6[%swap3A_248] {strides = array<i32>} : memref<512xi32, #tpu.memory_space<vmem>>, vector<16xi32>,
    tpu.vector_store %arg6[%swap3A_248], %add3A_247 {strides = array<i32>} : memref<512xi32, #tpu.memory_space<vmem>>, vector<16xi32>,
    %get3A_250 = arith.constant 288 : index
    %get3A_251 = tpu.vector_load %arg5[%get3A_250] {strides = array<i32>} : memref<512xi32, #tpu.memory_space<vmem>>, vector<16xi32>,
    %shift_right_arithmetic3A_252 = arith.constant 14 : i32
    %shift_right_arithmetic3A_253 = vector.broadcast %shift_right_arithmetic3A_252 : i32 to vector<16xi32>
    %shift_right_arithmetic3A_254 = arith.shrsi %get3A_251, %shift_right_arithmetic3A_253 : vector<16xi32>
    %shift_left3A_255 = arith.constant 13 : i32
    %shift_left3A_256 = vector.broadcast %shift_left3A_255 : i32 to vector<16xi32>
    %shift_left3A_257 = arith.shli %shift_right_arithmetic3A_254, %shift_left3A_256 : vector<16xi32>
    %and3A_258 = arith.constant 8191 : i32
    %and3A_259 = vector.broadcast %and3A_258 : i32 to vector<16xi32>
    %and3A_260 = arith.andi %get3A_251, %and3A_259 : vector<16xi32>
    %add3A_261 = arith.addi %shift_left3A_257, %and3A_260 : vector<16xi32>
    %swap3A_262 = arith.constant 288 : index
    %swap3A_263 = tpu.vector_load %arg6[%swap3A_262] {strides = array<i32>} : memref<512xi32, #tpu.memory_space<vmem>>, vector<16xi32>,
    tpu.vector_store %arg6[%swap3A_262], %add3A_261 {strides = array<i32>} : memref<512xi32, #tpu.memory_space<vmem>>, vector<16xi32>,
    %get3A_264 = arith.constant 304 : index
    %get3A_265 = tpu.vector_load %arg5[%get3A_264] {strides = array<i32>} : memref<512xi32, #tpu.memory_space<vmem>>, vector<16xi32>,
    %shift_right_arithmetic3A_266 = arith.constant 14 : i32
    %shift_right_arithmetic3A_267 = vector.broadcast %shift_right_arithmetic3A_266 : i32 to vector<16xi32>
    %shift_right_arithmetic3A_268 = arith.shrsi %get3A_265, %shift_right_arithmetic3A_267 : vector<16xi32>
    %shift_left3A_269 = arith.constant 13 : i32
    %shift_left3A_270 = vector.broadcast %shift_left3A_269 : i32 to vector<16xi32>
    %shift_left3A_271 = arith.shli %shift_right_arithmetic3A_268, %shift_left3A_270 : vector<16xi32>
    %and3A_272 = arith.constant 8191 : i32
    %and3A_273 = vector.broadcast %and3A_272 : i32 to vector<16xi32>
    %and3A_274 = arith.andi %get3A_265, %and3A_273 : vector<16xi32>
    %add3A_275 = arith.addi %shift_left3A_271, %and3A_274 : vector<16xi32>
    %swap3A_276 = arith.constant 304 : index
    %swap3A_277 = tpu.vector_load %arg6[%swap3A_276] {strides = array<i32>} : memref<512xi32, #tpu.memory_space<vmem>>, vector<16xi32>,
    tpu.vector_store %arg6[%swap3A_276], %add3A_275 {strides = array<i32>} : memref<512xi32, #tpu.memory_space<vmem>>, vector<16xi32>,
    %get3A_278 = arith.constant 320 : index
    %get3A_279 = tpu.vector_load %arg5[%get3A_278] {strides = array<i32>} : memref<512xi32, #tpu.memory_space<vmem>>, vector<16xi32>,
    %shift_right_arithmetic3A_280 = arith.constant 14 : i32
    %shift_right_arithmetic3A_281 = vector.broadcast %shift_right_arithmetic3A_280 : i32 to vector<16xi32>
    %shift_right_arithmetic3A_282 = arith.shrsi %get3A_279, %shift_right_arithmetic3A_281 : vector<16xi32>
    %shift_left3A_283 = arith.constant 13 : i32
    %shift_left3A_284 = vector.broadcast %shift_left3A_283 : i32 to vector<16xi32>
    %shift_left3A_285 = arith.shli %shift_right_arithmetic3A_282, %shift_left3A_284 : vector<16xi32>
    %and3A_286 = arith.constant 8191 : i32
    %and3A_287 = vector.broadcast %and3A_286 : i32 to vector<16xi32>
    %and3A_288 = arith.andi %get3A_279, %and3A_287 : vector<16xi32>
    %add3A_289 = arith.addi %shift_left3A_285, %and3A_288 : vector<16xi32>
    %swap3A_290 = arith.constant 320 : index
    %swap3A_291 = tpu.vector_load %arg6[%swap3A_290] {strides = array<i32>} : memref<512xi32, #tpu.memory_space<vmem>>, vector<16xi32>,
    tpu.vector_store %arg6[%swap3A_290], %add3A_289 {strides = array<i32>} : memref<512xi32, #tpu.memory_space<vmem>>, vector<16xi32>,
    %get3A_292 = arith.constant 336 : index
    %get3A_293 = tpu.vector_load %arg5[%get3A_292] {strides = array<i32>} : memref<512xi32, #tpu.memory_space<vmem>>, vector<16xi32>,
    %shift_right_arithmetic3A_294 = arith.constant 14 : i32
    %shift_right_arithmetic3A_295 = vector.broadcast %shift_right_arithmetic3A_294 : i32 to vector<16xi32>
    %shift_right_arithmetic3A_296 = arith.shrsi %get3A_293, %shift_right_arithmetic3A_295 : vector<16xi32>
    %shift_left3A_297 = arith.constant 13 : i32
    %shift_left3A_298 = vector.broadcast %shift_left3A_297 : i32 to vector<16xi32>
    %shift_left3A_299 = arith.shli %shift_right_arithmetic3A_296, %shift_left3A_298 : vector<16xi32>
    %and3A_300 = arith.constant 8191 : i32
    %and3A_301 = vector.broadcast %and3A_300 : i32 to vector<16xi32>
    %and3A_302 = arith.andi %get3A_293, %and3A_301 : vector<16xi32>
    %add3A_303 = arith.addi %shift_left3A_299, %and3A_302 : vector<16xi32>
    %swap3A_304 = arith.constant 336 : index
    %swap3A_305 = tpu.vector_load %arg6[%swap3A_304] {strides = array<i32>} : memref<512xi32, #tpu.memory_space<vmem>>, vector<16xi32>,
    tpu.vector_store %arg6[%swap3A_304], %add3A_303 {strides = array<i32>} : memref<512xi32, #tpu.memory_space<vmem>>, vector<16xi32>,
    %get3A_306 = arith.constant 352 : index
    %get3A_307 = tpu.vector_load %arg5[%get3A_306] {strides = array<i32>} : memref<512xi32, #tpu.memory_space<vmem>>, vector<16xi32>,
    %shift_right_arithmetic3A_308 = arith.constant 14 : i32
    %shift_right_arithmetic3A_309 = vector.broadcast %shift_right_arithmetic3A_308 : i32 to vector<16xi32>
    %shift_right_arithmetic3A_310 = arith.shrsi %get3A_307, %shift_right_arithmetic3A_309 : vector<16xi32>
    %shift_left3A_311 = arith.constant 13 : i32
    %shift_left3A_312 = vector.broadcast %shift_left3A_311 : i32 to vector<16xi32>
    %shift_left3A_313 = arith.shli %shift_right_arithmetic3A_310, %shift_left3A_312 : vector<16xi32>
    %and3A_314 = arith.constant 8191 : i32
    %and3A_315 = vector.broadcast %and3A_314 : i32 to vector<16xi32>
    %and3A_316 = arith.andi %get3A_307, %and3A_315 : vector<16xi32>
    %add3A_317 = arith.addi %shift_left3A_313, %and3A_316 : vector<16xi32>
    %swap3A_318 = arith.constant 352 : index
    %swap3A_319 = tpu.vector_load %arg6[%swap3A_318] {strides = array<i32>} : memref<512xi32, #tpu.memory_space<vmem>>, vector<16xi32>,
    tpu.vector_store %arg6[%swap3A_318], %add3A_317 {strides = array<i32>} : memref<512xi32, #tpu.memory_space<vmem>>, vector<16xi32>,
    %get3A_320 = arith.constant 368 : index
    %get3A_321 = tpu.vector_load %arg5[%get3A_320] {strides = array<i32>} : memref<512xi32, #tpu.memory_space<vmem>>, vector<16xi32>,
    %shift_right_arithmetic3A_322 = arith.constant 14 : i32
    %shift_right_arithmetic3A_323 = vector.broadcast %shift_right_arithmetic3A_322 : i32 to vector<16xi32>
    %shift_right_arithmetic3A_324 = arith.shrsi %get3A_321, %shift_right_arithmetic3A_323 : vector<16xi32>
    %shift_left3A_325 = arith.constant 13 : i32
    %shift_left3A_326 = vector.broadcast %shift_left3A_325 : i32 to vector<16xi32>
    %shift_left3A_327 = arith.shli %shift_right_arithmetic3A_324, %shift_left3A_326 : vector<16xi32>
    %and3A_328 = arith.constant 8191 : i32
    %and3A_329 = vector.broadcast %and3A_328 : i32 to vector<16xi32>
    %and3A_330 = arith.andi %get3A_321, %and3A_329 : vector<16xi32>
    %add3A_331 = arith.addi %shift_left3A_327, %and3A_330 : vector<16xi32>
    %swap3A_332 = arith.constant 368 : index
    %swap3A_333 = tpu.vector_load %arg6[%swap3A_332] {strides = array<i32>} : memref<512xi32, #tpu.memory_space<vmem>>, vector<16xi32>,
    tpu.vector_store %arg6[%swap3A_332], %add3A_331 {strides = array<i32>} : memref<512xi32, #tpu.memory_space<vmem>>, vector<16xi32>,
    %get3A_334 = arith.constant 384 : index
    %get3A_335 = tpu.vector_load %arg5[%get3A_334] {strides = array<i32>} : memref<512xi32, #tpu.memory_space<vmem>>, vector<16xi32>,
    %shift_right_arithmetic3A_336 = arith.constant 14 : i32
    %shift_right_arithmetic3A_337 = vector.broadcast %shift_right_arithmetic3A_336 : i32 to vector<16xi32>
    %shift_right_arithmetic3A_338 = arith.shrsi %get3A_335, %shift_right_arithmetic3A_337 : vector<16xi32>
    %shift_left3A_339 = arith.constant 13 : i32
    %shift_left3A_340 = vector.broadcast %shift_left3A_339 : i32 to vector<16xi32>
    %shift_left3A_341 = arith.shli %shift_right_arithmetic3A_338, %shift_left3A_340 : vector<16xi32>
    %and3A_342 = arith.constant 8191 : i32
    %and3A_343 = vector.broadcast %and3A_342 : i32 to vector<16xi32>
    %and3A_344 = arith.andi %get3A_335, %and3A_343 : vector<16xi32>
    %add3A_345 = arith.addi %shift_left3A_341, %and3A_344 : vector<16xi32>
    %swap3A_346 = arith.constant 384 : index
    %swap3A_347 = tpu.vector_load %arg6[%swap3A_346] {strides = array<i32>} : memref<512xi32, #tpu.memory_space<vmem>>, vector<16xi32>,
    tpu.vector_store %arg6[%swap3A_346], %add3A_345 {strides = array<i32>} : memref<512xi32, #tpu.memory_space<vmem>>, vector<16xi32>,
    %get3A_348 = arith.constant 400 : index
    %get3A_349 = tpu.vector_load %arg5[%get3A_348] {strides = array<i32>} : memref<512xi32, #tpu.memory_space<vmem>>, vector<16xi32>,
    %shift_right_arithmetic3A_350 = arith.constant 14 : i32
    %shift_right_arithmetic3A_351 = vector.broadcast %shift_right_arithmetic3A_350 : i32 to vector<16xi32>
    %shift_right_arithmetic3A_352 = arith.shrsi %get3A_349, %shift_right_arithmetic3A_351 : vector<16xi32>
    %shift_left3A_353 = arith.constant 13 : i32
    %shift_left3A_354 = vector.broadcast %shift_left3A_353 : i32 to vector<16xi32>
    %shift_left3A_355 = arith.shli %shift_right_arithmetic3A_352, %shift_left3A_354 : vector<16xi32>
    %and3A_356 = arith.constant 8191 : i32
    %and3A_357 = vector.broadcast %and3A_356 : i32 to vector<16xi32>
    %and3A_358 = arith.andi %get3A_349, %and3A_357 : vector<16xi32>
    %add3A_359 = arith.addi %shift_left3A_355, %and3A_358 : vector<16xi32>
    %swap3A_360 = arith.constant 400 : index
    %swap3A_361 = tpu.vector_load %arg6[%swap3A_360] {strides = array<i32>} : memref<512xi32, #tpu.memory_space<vmem>>, vector<16xi32>,
    tpu.vector_store %arg6[%swap3A_360], %add3A_359 {strides = array<i32>} : memref<512xi32, #tpu.memory_space<vmem>>, vector<16xi32>,
    %get3A_362 = arith.constant 416 : index
    %get3A_363 = tpu.vector_load %arg5[%get3A_362] {strides = array<i32>} : memref<512xi32, #tpu.memory_space<vmem>>, vector<16xi32>,
    %shift_right_arithmetic3A_364 = arith.constant 14 : i32
    %shift_right_arithmetic3A_365 = vector.broadcast %shift_right_arithmetic3A_364 : i32 to vector<16xi32>
    %shift_right_arithmetic3A_366 = arith.shrsi %get3A_363, %shift_right_arithmetic3A_365 : vector<16xi32>
    %shift_left3A_367 = arith.constant 13 : i32
    %shift_left3A_368 = vector.broadcast %shift_left3A_367 : i32 to vector<16xi32>
    %shift_left3A_369 = arith.shli %shift_right_arithmetic3A_366, %shift_left3A_368 : vector<16xi32>
    %and3A_370 = arith.constant 8191 : i32
    %and3A_371 = vector.broadcast %and3A_370 : i32 to vector<16xi32>
    %and3A_372 = arith.andi %get3A_363, %and3A_371 : vector<16xi32>
    %add3A_373 = arith.addi %shift_left3A_369, %and3A_372 : vector<16xi32>
    %swap3A_374 = arith.constant 416 : index
    %swap3A_375 = tpu.vector_load %arg6[%swap3A_374] {strides = array<i32>} : memref<512xi32, #tpu.memory_space<vmem>>, vector<16xi32>,
    tpu.vector_store %arg6[%swap3A_374], %add3A_373 {strides = array<i32>} : memref<512xi32, #tpu.memory_space<vmem>>, vector<16xi32>,
    %get3A_376 = arith.constant 432 : index
    %get3A_377 = tpu.vector_load %arg5[%get3A_376] {strides = array<i32>} : memref<512xi32, #tpu.memory_space<vmem>>, vector<16xi32>,
    %shift_right_arithmetic3A_378 = arith.constant 14 : i32
    %shift_right_arithmetic3A_379 = vector.broadcast %shift_right_arithmetic3A_378 : i32 to vector<16xi32>
    %shift_right_arithmetic3A_380 = arith.shrsi %get3A_377, %shift_right_arithmetic3A_379 : vector<16xi32>
    %shift_left3A_381 = arith.constant 13 : i32
    %shift_left3A_382 = vector.broadcast %shift_left3A_381 : i32 to vector<16xi32>
    %shift_left3A_383 = arith.shli %shift_right_arithmetic3A_380, %shift_left3A_382 : vector<16xi32>
    %and3A_384 = arith.constant 8191 : i32
    %and3A_385 = vector.broadcast %and3A_384 : i32 to vector<16xi32>
    %and3A_386 = arith.andi %get3A_377, %and3A_385 : vector<16xi32>
    %add3A_387 = arith.addi %shift_left3A_383, %and3A_386 : vector<16xi32>
    %swap3A_388 = arith.constant 432 : index
    %swap3A_389 = tpu.vector_load %arg6[%swap3A_388] {strides = array<i32>} : memref<512xi32, #tpu.memory_space<vmem>>, vector<16xi32>,
    tpu.vector_store %arg6[%swap3A_388], %add3A_387 {strides = array<i32>} : memref<512xi32, #tpu.memory_space<vmem>>, vector<16xi32>,
    %get3A_390 = arith.constant 448 : index
    %get3A_391 = tpu.vector_load %arg5[%get3A_390] {strides = array<i32>} : memref<512xi32, #tpu.memory_space<vmem>>, vector<16xi32>,
    %shift_right_arithmetic3A_392 = arith.constant 14 : i32
    %shift_right_arithmetic3A_393 = vector.broadcast %shift_right_arithmetic3A_392 : i32 to vector<16xi32>
    %shift_right_arithmetic3A_394 = arith.shrsi %get3A_391, %shift_right_arithmetic3A_393 : vector<16xi32>
    %shift_left3A_395 = arith.constant 13 : i32
    %shift_left3A_396 = vector.broadcast %shift_left3A_395 : i32 to vector<16xi32>
    %shift_left3A_397 = arith.shli %shift_right_arithmetic3A_394, %shift_left3A_396 : vector<16xi32>
    %and3A_398 = arith.constant 8191 : i32
    %and3A_399 = vector.broadcast %and3A_398 : i32 to vector<16xi32>
    %and3A_400 = arith.andi %get3A_391, %and3A_399 : vector<16xi32>
    %add3A_401 = arith.addi %shift_left3A_397, %and3A_400 : vector<16xi32>
    %swap3A_402 = arith.constant 448 : index
    %swap3A_403 = tpu.vector_load %arg6[%swap3A_402] {strides = array<i32>} : memref<512xi32, #tpu.memory_space<vmem>>, vector<16xi32>,
    tpu.vector_store %arg6[%swap3A_402], %add3A_401 {strides = array<i32>} : memref<512xi32, #tpu.memory_space<vmem>>, vector<16xi32>,
    %get3A_404 = arith.constant 464 : index
    %get3A_405 = tpu.vector_load %arg5[%get3A_404] {strides = array<i32>} : memref<512xi32, #tpu.memory_space<vmem>>, vector<16xi32>,
    %shift_right_arithmetic3A_406 = arith.constant 14 : i32
    %shift_right_arithmetic3A_407 = vector.broadcast %shift_right_arithmetic3A_406 : i32 to vector<16xi32>
    %shift_right_arithmetic3A_408 = arith.shrsi %get3A_405, %shift_right_arithmetic3A_407 : vector<16xi32>
    %shift_left3A_409 = arith.constant 13 : i32
    %shift_left3A_410 = vector.broadcast %shift_left3A_409 : i32 to vector<16xi32>
    %shift_left3A_411 = arith.shli %shift_right_arithmetic3A_408, %shift_left3A_410 : vector<16xi32>
    %and3A_412 = arith.constant 8191 : i32
    %and3A_413 = vector.broadcast %and3A_412 : i32 to vector<16xi32>
    %and3A_414 = arith.andi %get3A_405, %and3A_413 : vector<16xi32>
    %add3A_415 = arith.addi %shift_left3A_411, %and3A_414 : vector<16xi32>
    %swap3A_416 = arith.constant 464 : index
    %swap3A_417 = tpu.vector_load %arg6[%swap3A_416] {strides = array<i32>} : memref<512xi32, #tpu.memory_space<vmem>>, vector<16xi32>,
    tpu.vector_store %arg6[%swap3A_416], %add3A_415 {strides = array<i32>} : memref<512xi32, #tpu.memory_space<vmem>>, vector<16xi32>,
    %get3A_418 = arith.constant 480 : index
    %get3A_419 = tpu.vector_load %arg5[%get3A_418] {strides = array<i32>} : memref<512xi32, #tpu.memory_space<vmem>>, vector<16xi32>,
    %shift_right_arithmetic3A_420 = arith.constant 14 : i32
    %shift_right_arithmetic3A_421 = vector.broadcast %shift_right_arithmetic3A_420 : i32 to vector<16xi32>
    %shift_right_arithmetic3A_422 = arith.shrsi %get3A_419, %shift_right_arithmetic3A_421 : vector<16xi32>
    %shift_left3A_423 = arith.constant 13 : i32
    %shift_left3A_424 = vector.broadcast %shift_left3A_423 : i32 to vector<16xi32>
    %shift_left3A_425 = arith.shli %shift_right_arithmetic3A_422, %shift_left3A_424 : vector<16xi32>
    %and3A_426 = arith.constant 8191 : i32
    %and3A_427 = vector.broadcast %and3A_426 : i32 to vector<16xi32>
    %and3A_428 = arith.andi %get3A_419, %and3A_427 : vector<16xi32>
    %add3A_429 = arith.addi %shift_left3A_425, %and3A_428 : vector<16xi32>
    %swap3A_430 = arith.constant 480 : index
    %swap3A_431 = tpu.vector_load %arg6[%swap3A_430] {strides = array<i32>} : memref<512xi32, #tpu.memory_space<vmem>>, vector<16xi32>,
    tpu.vector_store %arg6[%swap3A_430], %add3A_429 {strides = array<i32>} : memref<512xi32, #tpu.memory_space<vmem>>, vector<16xi32>,
    %get3A_432 = arith.constant 496 : index
    %get3A_433 = tpu.vector_load %arg5[%get3A_432] {strides = array<i32>} : memref<512xi32, #tpu.memory_space<vmem>>, vector<16xi32>,
    %shift_right_arithmetic3A_434 = arith.constant 14 : i32
    %shift_right_arithmetic3A_435 = vector.broadcast %shift_right_arithmetic3A_434 : i32 to vector<16xi32>
    %shift_right_arithmetic3A_436 = arith.shrsi %get3A_433, %shift_right_arithmetic3A_435 : vector<16xi32>
    %shift_left3A_437 = arith.constant 13 : i32
    %shift_left3A_438 = vector.broadcast %shift_left3A_437 : i32 to vector<16xi32>
    %shift_left3A_439 = arith.shli %shift_right_arithmetic3A_436, %shift_left3A_438 : vector<16xi32>
    %and3A_440 = arith.constant 8191 : i32
    %and3A_441 = vector.broadcast %and3A_440 : i32 to vector<16xi32>
    %and3A_442 = arith.andi %get3A_433, %and3A_441 : vector<16xi32>
    %add3A_443 = arith.addi %shift_left3A_439, %and3A_442 : vector<16xi32>
    %swap3A_444 = arith.constant 496 : index
    %swap3A_445 = tpu.vector_load %arg6[%swap3A_444] {strides = array<i32>} : memref<512xi32, #tpu.memory_space<vmem>>, vector<16xi32>,
    tpu.vector_store %arg6[%swap3A_444], %add3A_443 {strides = array<i32>} : memref<512xi32, #tpu.memory_space<vmem>>, vector<16xi32>,
    %dma_start3A = arith.constant 0 : i32
    %dma_start3A_446 = arith.constant 0 : i32
    %dma_start3A_447 = tpu.memref_slice %arg7[%dma_start3A, %dma_start3A_446] : memref<512x128xf32, #tpu.memory_space<vmem>> -> memref<128x128xf32, #tpu.memory_space<vmem>>
    %dma_start3A_448 = arith.constant 0 : i32
    %dma_start3A_449 = tpu.memref_slice %arg6[%dma_start3A_448] : memref<512xi32, #tpu.memory_space<vmem>> -> memref<128xi32, #tpu.memory_space<vmem>>
    %dma_start3A_450 = arith.constant 0 : i32
    %dma_start3A_451 = arith.constant 0 : i32
    %dma_start3A_452 = tpu.memref_slice %arg2[%dma_start3A_450, %dma_start3A_451] : memref<57344x128xf32, #tpu.memory_space<hbm>> -> memref<57344x128xf32, #tpu.memory_space<hbm>>
    tpu.enqueue_indirect_dma source(%dma_start3A_452 : memref<57344x128xf32, #tpu.memory_space<hbm>>) target(%dma_start3A_447 : memref<128x128xf32, #tpu.memory_space<vmem>>) offsets(%dma_start3A_449 : memref<128xi32, #tpu.memory_space<vmem>>) semaphore(%arg8 : memref<!tpu.dma_semaphore, #tpu.memory_space<semaphore_mem>>)
    %dma_start3A_453 = arith.constant 128 : i32
    %dma_start3A_454 = arith.constant 0 : i32
    %dma_start3A_455 = tpu.memref_slice %arg7[%dma_start3A_453, %dma_start3A_454] : memref<512x128xf32, #tpu.memory_space<vmem>> -> memref<128x128xf32, #tpu.memory_space<vmem>>
    %dma_start3A_456 = arith.constant 128 : i32
    %dma_start3A_457 = tpu.memref_slice %arg6[%dma_start3A_456] : memref<512xi32, #tpu.memory_space<vmem>> -> memref<128xi32, #tpu.memory_space<vmem>>
    %dma_start3A_458 = arith.constant 0 : i32
    %dma_start3A_459 = arith.constant 0 : i32
    %dma_start3A_460 = tpu.memref_slice %arg2[%dma_start3A_458, %dma_start3A_459] : memref<57344x128xf32, #tpu.memory_space<hbm>> -> memref<57344x128xf32, #tpu.memory_space<hbm>>
    tpu.enqueue_indirect_dma source(%dma_start3A_460 : memref<57344x128xf32, #tpu.memory_space<hbm>>) target(%dma_start3A_455 : memref<128x128xf32, #tpu.memory_space<vmem>>) offsets(%dma_start3A_457 : memref<128xi32, #tpu.memory_space<vmem>>) semaphore(%arg8 : memref<!tpu.dma_semaphore, #tpu.memory_space<semaphore_mem>>)
    %dma_start3A_461 = arith.constant 256 : i32
    %dma_start3A_462 = arith.constant 0 : i32
    %dma_start3A_463 = tpu.memref_slice %arg7[%dma_start3A_461, %dma_start3A_462] : memref<512x128xf32, #tpu.memory_space<vmem>> -> memref<128x128xf32, #tpu.memory_space<vmem>>
    %dma_start3A_464 = arith.constant 256 : i32
    %dma_start3A_465 = tpu.memref_slice %arg6[%dma_start3A_464] : memref<512xi32, #tpu.memory_space<vmem>> -> memref<128xi32, #tpu.memory_space<vmem>>
    %dma_start3A_466 = arith.constant 0 : i32
    %dma_start3A_467 = arith.constant 0 : i32
    %dma_start3A_468 = tpu.memref_slice %arg2[%dma_start3A_466, %dma_start3A_467] : memref<57344x128xf32, #tpu.memory_space<hbm>> -> memref<57344x128xf32, #tpu.memory_space<hbm>>
    tpu.enqueue_indirect_dma source(%dma_start3A_468 : memref<57344x128xf32, #tpu.memory_space<hbm>>) target(%dma_start3A_463 : memref<128x128xf32, #tpu.memory_space<vmem>>) offsets(%dma_start3A_465 : memref<128xi32, #tpu.memory_space<vmem>>) semaphore(%arg8 : memref<!tpu.dma_semaphore, #tpu.memory_space<semaphore_mem>>)
    %dma_start3A_469 = arith.constant 384 : i32
    %dma_start3A_470 = arith.constant 0 : i32
    %dma_start3A_471 = tpu.memref_slice %arg7[%dma_start3A_469, %dma_start3A_470] : memref<512x128xf32, #tpu.memory_space<vmem>> -> memref<128x128xf32, #tpu.memory_space<vmem>>
    %dma_start3A_472 = arith.constant 384 : i32
    %dma_start3A_473 = tpu.memref_slice %arg6[%dma_start3A_472] : memref<512xi32, #tpu.memory_space<vmem>> -> memref<128xi32, #tpu.memory_space<vmem>>
    %dma_start3A_474 = arith.constant 0 : i32
    %dma_start3A_475 = arith.constant 0 : i32
    %dma_start3A_476 = tpu.memref_slice %arg2[%dma_start3A_474, %dma_start3A_475] : memref<57344x128xf32, #tpu.memory_space<hbm>> -> memref<57344x128xf32, #tpu.memory_space<hbm>>
    tpu.enqueue_indirect_dma source(%dma_start3A_476 : memref<57344x128xf32, #tpu.memory_space<hbm>>) target(%dma_start3A_471 : memref<128x128xf32, #tpu.memory_space<vmem>>) offsets(%dma_start3A_473 : memref<128xi32, #tpu.memory_space<vmem>>) semaphore(%arg8 : memref<!tpu.dma_semaphore, #tpu.memory_space<semaphore_mem>>)
    %dma_wait3A = arith.constant 0 : i32
    %dma_wait3A_477 = arith.constant 0 : i32
    %dma_wait3A_478 = tpu.memref_slice %arg7[%dma_wait3A, %dma_wait3A_477] : memref<512x128xf32, #tpu.memory_space<vmem>> -> memref<128x128xf32, #tpu.memory_space<vmem>>
    %dma_wait3A_479 = arith.constant 0 : i32
    %dma_wait3A_480 = tpu.memref_slice %arg6[%dma_wait3A_479] : memref<512xi32, #tpu.memory_space<vmem>> -> memref<128xi32, #tpu.memory_space<vmem>>
    %dma_wait3A_481 = arith.constant 0 : i32
    %dma_wait3A_482 = arith.constant 0 : i32
    %dma_wait3A_483 = tpu.memref_slice %arg2[%dma_wait3A_481, %dma_wait3A_482] : memref<57344x128xf32, #tpu.memory_space<hbm>> -> memref<57344x128xf32, #tpu.memory_space<hbm>>
    tpu.wait_indirect_dma semaphore(%arg8 : memref<!tpu.dma_semaphore, #tpu.memory_space<semaphore_mem>>) src(%dma_wait3A_483 : memref<57344x128xf32, #tpu.memory_space<hbm>>) dst(%dma_wait3A_478 : memref<128x128xf32, #tpu.memory_space<vmem>>)
    %dma_wait3A_484 = arith.constant 128 : i32
    %dma_wait3A_485 = arith.constant 0 : i32
    %dma_wait3A_486 = tpu.memref_slice %arg7[%dma_wait3A_484, %dma_wait3A_485] : memref<512x128xf32, #tpu.memory_space<vmem>> -> memref<128x128xf32, #tpu.memory_space<vmem>>
    %dma_wait3A_487 = arith.constant 128 : i32
    %dma_wait3A_488 = tpu.memref_slice %arg6[%dma_wait3A_487] : memref<512xi32, #tpu.memory_space<vmem>> -> memref<128xi32, #tpu.memory_space<vmem>>
    %dma_wait3A_489 = arith.constant 0 : i32
    %dma_wait3A_490 = arith.constant 0 : i32
    %dma_wait3A_491 = tpu.memref_slice %arg2[%dma_wait3A_489, %dma_wait3A_490] : memref<57344x128xf32, #tpu.memory_space<hbm>> -> memref<57344x128xf32, #tpu.memory_space<hbm>>
    tpu.wait_indirect_dma semaphore(%arg8 : memref<!tpu.dma_semaphore, #tpu.memory_space<semaphore_mem>>) src(%dma_wait3A_491 : memref<57344x128xf32, #tpu.memory_space<hbm>>) dst(%dma_wait3A_486 : memref<128x128xf32, #tpu.memory_space<vmem>>)
    %dma_wait3A_492 = arith.constant 256 : i32
    %dma_wait3A_493 = arith.constant 0 : i32
    %dma_wait3A_494 = tpu.memref_slice %arg7[%dma_wait3A_492, %dma_wait3A_493] : memref<512x128xf32, #tpu.memory_space<vmem>> -> memref<128x128xf32, #tpu.memory_space<vmem>>
    %dma_wait3A_495 = arith.constant 256 : i32
    %dma_wait3A_496 = tpu.memref_slice %arg6[%dma_wait3A_495] : memref<512xi32, #tpu.memory_space<vmem>> -> memref<128xi32, #tpu.memory_space<vmem>>
    %dma_wait3A_497 = arith.constant 0 : i32
    %dma_wait3A_498 = arith.constant 0 : i32
    %dma_wait3A_499 = tpu.memref_slice %arg2[%dma_wait3A_497, %dma_wait3A_498] : memref<57344x128xf32, #tpu.memory_space<hbm>> -> memref<57344x128xf32, #tpu.memory_space<hbm>>
    tpu.wait_indirect_dma semaphore(%arg8 : memref<!tpu.dma_semaphore, #tpu.memory_space<semaphore_mem>>) src(%dma_wait3A_499 : memref<57344x128xf32, #tpu.memory_space<hbm>>) dst(%dma_wait3A_494 : memref<128x128xf32, #tpu.memory_space<vmem>>)
    %dma_wait3A_500 = arith.constant 384 : i32
    %dma_wait3A_501 = arith.constant 0 : i32
    %dma_wait3A_502 = tpu.memref_slice %arg7[%dma_wait3A_500, %dma_wait3A_501] : memref<512x128xf32, #tpu.memory_space<vmem>> -> memref<128x128xf32, #tpu.memory_space<vmem>>
    %dma_wait3A_503 = arith.constant 384 : i32
    %dma_wait3A_504 = tpu.memref_slice %arg6[%dma_wait3A_503] : memref<512xi32, #tpu.memory_space<vmem>> -> memref<128xi32, #tpu.memory_space<vmem>>
    %dma_wait3A_505 = arith.constant 0 : i32
    %dma_wait3A_506 = arith.constant 0 : i32
    %dma_wait3A_507 = tpu.memref_slice %arg2[%dma_wait3A_505, %dma_wait3A_506] : memref<57344x128xf32, #tpu.memory_space<hbm>> -> memref<57344x128xf32, #tpu.memory_space<hbm>>
    tpu.wait_indirect_dma semaphore(%arg8 : memref<!tpu.dma_semaphore, #tpu.memory_space<semaphore_mem>>) src(%dma_wait3A_507 : memref<57344x128xf32, #tpu.memory_space<hbm>>) dst(%dma_wait3A_502 : memref<128x128xf32, #tpu.memory_space<vmem>>)
    "tpu.region"() ({
      %run_scoped3A = tpu.sem_alloc : memref<!tpu.dma_semaphore, #tpu.memory_space<semaphore_mem>>
      %dma_start3A_508 = arith.constant 0 : i32
      %dma_start3A_509 = tpu.memref_slice %arg4[%mul3A_2, %dma_start3A_508] : memref<16384x128xf32, #tpu.memory_space<hbm>> -> memref<512x128xf32, #tpu.memory_space<hbm>>
      %dma_start3A_510 = arith.constant 0 : i32
      %dma_start3A_511 = tpu.memref_slice %arg4[%mul3A_2, %dma_start3A_510] : memref<16384x128xf32, #tpu.memory_space<hbm>> -> memref<512x128xf32, #tpu.memory_space<hbm>>
      tpu.enqueue_dma source(%arg7 : memref<512x128xf32, #tpu.memory_space<vmem>>) target(%dma_start3A_511 : memref<512x128xf32, #tpu.memory_space<hbm>>) target_semaphore(%run_scoped3A : memref<!tpu.dma_semaphore, #tpu.memory_space<semaphore_mem>>)
      %dma_wait3A_512 = arith.constant 0 : i32
      %dma_wait3A_513 = tpu.memref_slice %arg4[%mul3A_2, %dma_wait3A_512] : memref<16384x128xf32, #tpu.memory_space<hbm>> -> memref<512x128xf32, #tpu.memory_space<hbm>>
      %dma_wait3A_514 = arith.constant 0 : i32
      %dma_wait3A_515 = tpu.memref_slice %arg4[%mul3A_2, %dma_wait3A_514] : memref<16384x128xf32, #tpu.memory_space<hbm>> -> memref<512x128xf32, #tpu.memory_space<hbm>>
      tpu.wait_dma2 semaphore(%run_scoped3A : memref<!tpu.dma_semaphore, #tpu.memory_space<semaphore_mem>>) src(%arg7 : memref<512x128xf32, #tpu.memory_space<vmem>>) dst(%dma_wait3A_515 : memref<512x128xf32, #tpu.memory_space<hbm>>)
      tpu.yield
    }) : () -> ()
    return
  }
}

module attributes {stable_mosaic.version = 14 : i64} {
  func.func @_fmt_body(%arg0: i32, %arg1: memref<64x16384xf32, #tpu.memory_space<vmem>>, %arg2: memref<8192x128xf32, #tpu.memory_space<vmem>>) attributes {dimension_semantics = [#tpu.dimension_semantics<arbitrary>], iteration_bounds = array<i64: 7>, scalar_prefetch = 0 : i64, scratch_operands = 0 : i64, tpu.core_type = #tpu.core_type<tc>, window_params = [{transform_indices = @transform_0, window_bounds = array<i64: 64, 16384>}, {transform_indices = @transform_1, window_bounds = array<i64: 8192, 128>}]} {
    %get3A = arith.constant 0 : index
    %get3A_0 = arith.constant 0 : index
    %get3A_1 = vector.load %arg1[%get3A, %get3A_0] : memref<64x16384xf32, #tpu.memory_space<vmem>>, vector<64x16384xf32>
    %transpose3A = tpu.transpose %get3A_1, [1, 0] : vector<64x16384xf32> -> vector<16384x64xf32>
    %slice3A = vector.extract_strided_slice %transpose3A {offsets = [0, 0], sizes = [8192, 64], strides = [1, 1]} : vector<16384x64xf32> to vector<8192x64xf32>
    %slice3A_2 = vector.extract_strided_slice %transpose3A {offsets = [8192, 0], sizes = [8192, 64], strides = [1, 1]} : vector<16384x64xf32> to vector<8192x64xf32>
    %concatenate3A = tpu.concatenate %slice3A, %slice3A_2 in 1 : vector<8192x64xf32>, vector<8192x64xf32> -> vector<8192x128xf32>
    %swap3A = arith.constant 0 : index
    %swap3A_3 = arith.constant 0 : index
    %swap3A_4 = vector.load %arg2[%swap3A, %swap3A_3] : memref<8192x128xf32, #tpu.memory_space<vmem>>, vector<8192x128xf32>
    tpu.vector_store %arg2[%swap3A, %swap3A_3], %concatenate3A {strides = array<i32>} : memref<8192x128xf32, #tpu.memory_space<vmem>>, vector<8192x128xf32>,
    return
  }
  func.func @transform_0(%arg0: i32) -> (i32, i32) {
    %c0_i32 = arith.constant 0 : i32
    %c0_i32_0 = arith.constant 0 : i32
    return %c0_i32, %arg0 : i32, i32
  }
  func.func @transform_1(%arg0: i32) -> (i32, i32) {
    %c0_i32 = arith.constant 0 : i32
    %c0_i32_0 = arith.constant 0 : i32
    return %arg0, %c0_i32 : i32, i32
  }
}

module attributes {stable_mosaic.version = 14 : i64} {
  func.func @_mlp_body(%arg0: i32, %arg1: memref<8192x128xf32, #tpu.memory_space<vmem>>, %arg2: memref<1x1x8192xi32, #tpu.memory_space<vmem>>, %arg3: memref<64x256xf32, #tpu.memory_space<vmem>>, %arg4: memref<1x256xf32, #tpu.memory_space<vmem>>, %arg5: memref<64x256xf32, #tpu.memory_space<vmem>>, %arg6: memref<64x1xf32, #tpu.memory_space<vmem>>, %arg7: memref<64x8192xf32, #tpu.memory_space<vmem>>) attributes {dimension_semantics = [#tpu.dimension_semantics<arbitrary>], iteration_bounds = array<i64: 2>, scalar_prefetch = 0 : i64, scratch_operands = 0 : i64, tpu.core_type = #tpu.core_type<tc>, window_params = [{transform_indices = @transform_0, window_bounds = array<i64: 8192, 128>}, {transform_indices = @transform_1, window_bounds = array<i64: 1, 1, 8192>}, {pipeline_mode = #tpu.pipeline_mode<synchronous>, transform_indices = @transform_2, window_bounds = array<i64: 64, 256>}, {pipeline_mode = #tpu.pipeline_mode<synchronous>, transform_indices = @transform_3, window_bounds = array<i64: 1, 256>}, {pipeline_mode = #tpu.pipeline_mode<synchronous>, transform_indices = @transform_4, window_bounds = array<i64: 64, 256>}, {pipeline_mode = #tpu.pipeline_mode<synchronous>, transform_indices = @transform_5, window_bounds = array<i64: 64, 1>}, {transform_indices = @transform_6, window_bounds = array<i64: 64, 8192>}]} {
    %get3A = arith.constant 0 : index
    %get3A_0 = arith.constant 0 : index
    %get3A_1 = vector.load %arg1[%get3A, %get3A_0] : memref<8192x128xf32, #tpu.memory_space<vmem>>, vector<8192x128xf32>
    %get3A_2 = arith.constant 0 : index
    %get3A_3 = arith.constant 0 : index
    %get3A_4 = arith.constant 0 : index
    %get3A_5 = vector.load %arg2[%get3A_2, %get3A_3, %get3A_4] : memref<1x1x8192xi32, #tpu.memory_space<vmem>>, vector<1x1x8192xi32>
    %reshape3A = vector.shape_cast %get3A_5 : vector<1x1x8192xi32> to vector<8192x1xi32>
    %shift_right_arithmetic3A = arith.constant 13 : i32
    %shift_right_arithmetic3A_6 = vector.broadcast %shift_right_arithmetic3A : i32 to vector<8192x1xi32>
    %shift_right_arithmetic3A_7 = arith.shrsi %reshape3A, %shift_right_arithmetic3A_6 : vector<8192x1xi32>
    %and3A = arith.constant 1 : i32
    %and3A_8 = vector.broadcast %and3A : i32 to vector<8192x1xi32>
    %and3A_9 = arith.andi %shift_right_arithmetic3A_7, %and3A_8 : vector<8192x1xi32>
    %eq3A = arith.constant 1 : i32
    %eq3A_10 = vector.broadcast %eq3A : i32 to vector<8192x1xi32>
    %eq3A_11 = arith.cmpi eq, %and3A_9, %eq3A_10 : vector<8192x1xi32>
    %slice3A = vector.extract_strided_slice %get3A_1 {offsets = [0, 64], sizes = [8192, 64], strides = [1, 1]} : vector<8192x128xf32> to vector<8192x64xf32>
    %slice3A_12 = vector.extract_strided_slice %get3A_1 {offsets = [0, 0], sizes = [8192, 64], strides = [1, 1]} : vector<8192x128xf32> to vector<8192x64xf32>
    %broadcast_in_dim3A = vector.shape_cast %eq3A_11 : vector<8192x1xi1> to vector<8192x1xi1>
    %broadcast_in_dim3A_13 = vector.broadcast %broadcast_in_dim3A : vector<8192x1xi1> to vector<8192x64xi1>
    %select_n3A = arith.select %broadcast_in_dim3A_13, %slice3A, %slice3A_12 : vector<8192x64xi1>, vector<8192x64xf32>
    %get3A_14 = arith.constant 0 : index
    %get3A_15 = arith.constant 0 : index
    %get3A_16 = vector.load %arg3[%get3A_14, %get3A_15] : memref<64x256xf32, #tpu.memory_space<vmem>>, vector<64x256xf32>
    %dot_general3A = arith.constant dense<0.000000e+00> : vector<8192x256xf32>
    %dot_general3A_17 = tpu.matmul %select_n3A, %get3A_16, %dot_general3A {dimension_numbers = #tpu.dot_dimension_numbers<[1], [0], [0], [1], [0, 0, 1, 1], [], []>, transpose_lhs_hint = false} : vector<8192x64xf32>, vector<64x256xf32>, vector<8192x256xf32> -> vector<8192x256xf32>
    %get3A_18 = arith.constant 0 : index
    %get3A_19 = arith.constant 0 : index
    %get3A_20 = vector.load %arg4[%get3A_18, %get3A_19] : memref<1x256xf32, #tpu.memory_space<vmem>>, vector<1x256xf32>
    %add3A = vector.broadcast %get3A_20 : vector<1x256xf32> to vector<8192x256xf32>
    %add3A_21 = arith.addf %dot_general3A_17, %add3A : vector<8192x256xf32>
    %logistic3A = arith.negf %add3A_21 : vector<8192x256xf32>
    %logistic3A_22 = math.exp %logistic3A : vector<8192x256xf32>
    %logistic3A_23 = arith.constant 1.000000e+00 : f32
    %logistic3A_24 = vector.broadcast %logistic3A_23 : f32 to vector<8192x256xf32>
    %logistic3A_25 = arith.addf %logistic3A_24, %logistic3A_22 : vector<8192x256xf32>
    %logistic3A_26 = arith.divf %logistic3A_24, %logistic3A_25 : vector<8192x256xf32>
    %mul3A = arith.mulf %add3A_21, %logistic3A_26 : vector<8192x256xf32>
    %get3A_27 = arith.constant 0 : index
    %get3A_28 = arith.constant 0 : index
    %get3A_29 = vector.load %arg5[%get3A_27, %get3A_28] : memref<64x256xf32, #tpu.memory_space<vmem>>, vector<64x256xf32>
    %dot_general3A_30 = arith.constant dense<0.000000e+00> : vector<64x8192xf32>
    %dot_general3A_31 = tpu.matmul %get3A_29, %mul3A, %dot_general3A_30 {dimension_numbers = #tpu.dot_dimension_numbers<[1], [1], [0], [0], [0, 0, 1, 0], [], []>, transpose_lhs_hint = false} : vector<64x256xf32>, vector<8192x256xf32>, vector<64x8192xf32> -> vector<64x8192xf32>
    %get3A_32 = arith.constant 0 : index
    %get3A_33 = arith.constant 0 : index
    %get3A_34 = vector.load %arg6[%get3A_32, %get3A_33] : memref<64x1xf32, #tpu.memory_space<vmem>>, vector<64x1xf32>
    %add3A_35 = vector.broadcast %get3A_34 : vector<64x1xf32> to vector<64x8192xf32>
    %add3A_36 = arith.addf %dot_general3A_31, %add3A_35 : vector<64x8192xf32>
    %swap3A = arith.constant 0 : index
    %swap3A_37 = arith.constant 0 : index
    %swap3A_38 = vector.load %arg7[%swap3A, %swap3A_37] : memref<64x8192xf32, #tpu.memory_space<vmem>>, vector<64x8192xf32>
    tpu.vector_store %arg7[%swap3A, %swap3A_37], %add3A_36 {strides = array<i32>} : memref<64x8192xf32, #tpu.memory_space<vmem>>, vector<64x8192xf32>,
    return
  }
  func.func @transform_0(%arg0: i32) -> (i32, i32) {
    %c0_i32 = arith.constant 0 : i32
    %c0_i32_0 = arith.constant 0 : i32
    return %arg0, %c0_i32 : i32, i32
  }
  func.func @transform_1(%arg0: i32) -> (i32, i32, i32) {
    %c0_i32 = arith.constant 0 : i32
    %c0_i32_0 = arith.constant 0 : i32
    %c0_i32_1 = arith.constant 0 : i32
    return %arg0, %c0_i32, %c0_i32_0 : i32, i32, i32
  }
  func.func @transform_2(%arg0: i32) -> (i32, i32) {
    %c0_i32 = arith.constant 0 : i32
    %c0_i32_0 = arith.constant 0 : i32
    %c0_i32_1 = arith.constant 0 : i32
    return %c0_i32, %c0_i32_0 : i32, i32
  }
  func.func @transform_3(%arg0: i32) -> (i32, i32) {
    %c0_i32 = arith.constant 0 : i32
    %c0_i32_0 = arith.constant 0 : i32
    %c0_i32_1 = arith.constant 0 : i32
    return %c0_i32, %c0_i32_0 : i32, i32
  }
  func.func @transform_4(%arg0: i32) -> (i32, i32) {
    %c0_i32 = arith.constant 0 : i32
    %c0_i32_0 = arith.constant 0 : i32
    %c0_i32_1 = arith.constant 0 : i32
    return %c0_i32, %c0_i32_0 : i32, i32
  }
  func.func @transform_5(%arg0: i32) -> (i32, i32) {
    %c0_i32 = arith.constant 0 : i32
    %c0_i32_0 = arith.constant 0 : i32
    %c0_i32_1 = arith.constant 0 : i32
    return %c0_i32, %c0_i32_0 : i32, i32
  }
  func.func @transform_6(%arg0: i32) -> (i32, i32) {
    %c0_i32 = arith.constant 0 : i32
    %c0_i32_0 = arith.constant 0 : i32
    return %c0_i32, %arg0 : i32, i32
  }
}

</mosaic_0001>

<sc_bundles>
// kernel: kernel.5.cloned.1.call-start
scs
__scs_entry_jumppad:
0x0: {  	(pc) =	sbr.rel $0x88, $3  }
0x1: {  	(tag) =	ssettag $0x0;
	lr =	simm.s32 $0x1  }
0x2: {  	[smem:$0x3F9B] =	sst lr;
	_ =	strace $0xD0000000  }
0x3: {  	_ = 	snop  }
0x4: {  	_ = 	snop  }
0x5: {  	_ = 	snop  }
0x6: {  	_ = 	snop  }
0x7: {  	_ = 	snop  }
__scs_overlays_trampoline_lowered:
0x8: {  	[smem:$0x3FAA] =	sst s0  }
0x9: {  	[smem:$0x3FAB] =	sst s1  }
0xa: {  	[smem:$0x3FAC] =	sst s2  }
0xb: {  	[smem:$0x3FAD] =	sst s3  }
0xc: {  	[smem:$0x3FAE] =	sst s4  }
0xd: {  	[smem:$0x3FAF] =	sst s5  }
0xe: {  	[smem:$0x3FB0] =	sst s6  }
0xf: {  	[smem:$0x3FB1] =	sst s7  }
0x10: {  	[smem:$0x3FB2] =	sst s8  }
0x11: {  	[smem:$0x3FB3] =	sst s9;
	s0 =	simm.s32 @!p0 $0x0  }
0x12: {  	s1 =	sld [smem:$0x3F99];
	s0 =	simm.s32 @p0 $0x1  }
0x13: {  	[smem:$0x3FB4] =	sst s0;
	s0 =	simm.s32 @!p1 $0x0  }
0x14: {  	s2 =	sld [smem:$0x3F98];
	s0 =	simm.s32 @p1 $0x1  }
0x15: {  	[smem:$0x3FB5] =	sst s0;
	s0 =	simm.s32 @!p2 $0x0  }
0x16: {  	s3 =	sld [smem:$0x3FDB];
	s0 =	simm.s32 @p2 $0x1  }
0x17: {  	s4 =	simm.s32 $0x1BF5;
	[smem:$0x3FB7] =	sst s0  }
0x18: {  	s0 =	sld [smem:$0x3F9A];
	_ =	swait.ge [sflag:s4], $0x0  }
0x19: {  	s7 =	sld [smem:$0x3F9B]  }
0x1a: {  	s8 =	sadd.s32 $0xFFFFE003, lr  }
0x1b: {  	s9 =	sadd.s32 $0xFFFFFEF7, lr;
	s5 =	simm.s32 $0xFFFFFFFF;
	p2 =	slt.u32 s8, $0xFFFFF086  }
0x1c: {  	p1 =	slt.u32 s9, $0xF7A;
	s5 =	simm.s32 @!p2 $0x0  }
0x1d: {  	s5 =	simm.s32 @p1 $0x1;
	p0 =	seq.s32 s7, s2  }
0x1e: {  	s7 =	smul.u32 @!p0 $0xF7A, s2;
	p2 =	seq.s32 @!p0 s5, $0x0  }
0x1f: {  	s9 =	smul.u32 $0xF7A, s1;
	s8 =	simm.s32 @!p0 $0x1BF5;
	p2 =	por !p2, p0  }
0x20: {  	[sflag:s8] =	ssyncset.s32 @!p0 $0xFFFFF086;
	s6 =	sadd.s32 @!p0 s3, s7;
	s7 =	simm.s32 @!p0 $0x108  }
0x21: {  	s3 =	sadd.s32 s3, s9;
	s6 =	sadd.s32 @!p0 $0x88, s6;
	s7 =	simm.s32 @p2 $0x1082  }
0x22: {  	[simem:s7], [sflag:s8] =	dma.local @!p0 [hbm:s6], $0xF7A  }
0x23: {  	s9 =	sor.u32 $0xD0000000, s2;
	s6 =	simm.s32 $0x108;
	_ =	swait.ge @!p0 [sflag:s8], $0x0  }
0x24: {  	s3 =	sadd.s32 $0x88, s3;
	s6 =	simm.s32 @!p1 $0x1082;
	[sflag:s4] =	ssyncset.s32 $0xFFFFF086  }
0x25: {  	[simem:s6], [sflag:s4] =	dma.local [hbm:s3], $0xF7A  }
0x26: {  	[smem:$0x3F9B] =	sst s1;
	(tag) =	ssettag s2;
	_ =	strace s9  }
0x27: {  	s1 =	sld [smem:$0x3FAB]  }
0x28: {  	s2 =	sld [smem:$0x3FAC]  }
0x29: {  	s4 =	sld [smem:$0x3FAE]  }
0x2a: {  	p0 =	seq.s32 s5, $0x0;
	s5 =	sld [smem:$0x3FAF]  }
0x2b: {  	s6 =	sld [smem:$0x3FB0]  }
0x2c: {  	s7 =	sld [smem:$0x3FB1]  }
0x2d: {  	s3 =	simm.s32 $0x108;
	s8 =	sld [smem:$0x3FB2]  }
0x2e: {  	s3 =	simm.s32 @!p0 $0x1082;
	s9 =	sld [smem:$0x3FB3]  }
0x2f: {  	lr =	sadd.s32 s0, s3;
	s0 =	sld [smem:$0x3FAA]  }
0x30: {  	s3 =	sld [smem:$0x3FAD]  }
0x31: {  	[smem:$0x3FB6] =	sst s10  }
0x32: {  	s10 =	sld [smem:$0x3FB4];
	_ =	sdelay $0x3  }
0x33: {  	p0 =	seq.s32 s10, $0x1;
	s10 =	sld [smem:$0x3FB6];
	_ =	sdelay $0x3  }
0x34: {  	[smem:$0x3FB6] =	sst s10  }
0x35: {  	s10 =	sld [smem:$0x3FB5];
	_ =	sdelay $0x3  }
0x36: {  	p1 =	seq.s32 s10, $0x1;
	s10 =	sld [smem:$0x3FB6];
	_ =	sdelay $0x3  }
0x37: {  	[smem:$0x3FB6] =	sst s10  }
0x38: {  	s10 =	sld [smem:$0x3FB7]  }
0x39: {  	_ = 	snop;
	(pc) =	sbr.ind lr, $3  }
0x3a: {  	_ = 	snop  }
0x3b: {  	_ = 	snop  }
0x3c: {  	p2 =	seq.s32 s10, $0x1;
	s10 =	sld [smem:$0x3FB6]  }
0x3d: {  	_ =	shalt  }
0x3e: {  	_ =	shalt  }
0x3f: {  	_ =	shalt  }
0x40: {  	_ =	shalt  }
0x41: {  	_ =	shalt  }
0x42: {  	_ =	shalt  }
0x43: {  	_ =	shalt  }
0x44: {  	_ =	shalt  }
0x45: {  	_ =	shalt  }
0x46: {  	_ =	shalt  }
0x47: {  	_ =	shalt  }
0x48: {  	_ =	shalt  }
0x49: {  	_ =	shalt  }
0x4a: {  	_ =	shalt  }
0x4b: {  	_ =	shalt  }
0x4c: {  	_ =	shalt  }
0x4d: {  	_ =	shalt  }
0x4e: {  	_ =	shalt  }
0x4f: {  	_ =	shalt  }
0x50: {  	_ =	shalt  }
0x51: {  	_ =	shalt  }
0x52: {  	_ =	shalt  }
0x53: {  	_ =	shalt  }
0x54: {  	_ =	shalt  }
0x55: {  	_ =	shalt  }
0x56: {  	_ =	shalt  }
0x57: {  	_ =	shalt  }
0x58: {  	_ =	shalt  }
0x59: {  	_ =	shalt  }
0x5a: {  	_ =	shalt  }
0x5b: {  	_ =	shalt  }
0x5c: {  	_ =	shalt  }
0x5d: {  	_ =	shalt  }
0x5e: {  	_ =	shalt  }
0x5f: {  	_ =	shalt  }
0x60: {  	_ =	shalt  }
0x61: {  	_ =	shalt  }
0x62: {  	_ =	shalt  }
0x63: {  	_ =	shalt  }
0x64: {  	_ =	shalt  }
0x65: {  	_ =	shalt  }
0x66: {  	_ =	shalt  }
0x67: {  	_ =	shalt  }
0x68: {  	_ =	shalt  }
0x69: {  	_ =	shalt  }
0x6a: {  	_ =	shalt  }
0x6b: {  	_ =	shalt  }
0x6c: {  	_ =	shalt  }
0x6d: {  	_ =	shalt  }
0x6e: {  	_ =	shalt  }
0x6f: {  	_ =	shalt  }
0x70: {  	_ =	shalt  }
0x71: {  	_ =	shalt  }
0x72: {  	_ =	shalt  }
0x73: {  	_ =	shalt  }
0x74: {  	_ =	shalt  }
0x75: {  	_ =	shalt  }
0x76: {  	_ =	shalt  }
0x77: {  	_ =	shalt  }
0x78: {  	_ =	shalt  }
0x79: {  	_ =	shalt  }
0x7a: {  	_ =	shalt  }
0x7b: {  	_ =	shalt  }
0x7c: {  	_ =	shalt  }
0x7d: {  	_ =	shalt  }
0x7e: {  	_ =	shalt  }
0x7f: {  	_ =	shalt  }
0x80: {  	_ =	shalt  }
0x81: {  	_ =	shalt  }
0x82: {  	_ =	shalt  }
0x83: {  	_ =	shalt  }
0x84: {  	_ =	shalt  }
0x85: {  	_ =	shalt  }
0x86: {  	_ =	shalt  }
0x87: {  	_ =	shalt  }
.Lfunc_end0:
.L_simem_size_0:
called_computation_lowered:
.L_overlay_start_0:
0x88: {  	s2 =	sld [smem:$0x3FD9]  }
0x89: {  	s3 =	sld [smem:$0x3FFE];
	_ =	sdelay $0x1  }
0x8a: {  	s1 =	srdreg.scid  }
0x8b: {  	s0 =	sand.u32 $0x1, s1  }
0x8c: {  	s17 =	sshll.u32 s0, $0xA;
	s2 =	sadd.s32 s3, s2  }
0x8d: {  	s2 =	sadd.s32 s2, s17  }
0x8e: {  	[smem:$0x3FC2] =	sst s2  }
0x8f: {  	_ = 	snop  }
0x90: {  	s2 =	sld [smem:$0x3FC9];
	(tm) =	ssettm $0x1  }
0x91: {  	s18 =	sld [smem:$0x3FFB];
	_ =	sdelay $0x3  }
0x92: {  	_ =	strace s18  }
0x93: {  	s3 =	sld [smem:$0x3FFC];
	_ =	sdelay $0x3  }
0x94: {  	_ =	strace s3  }
0x95: {  	s3 =	sld [smem:$0x3FFD];
	_ =	sdelay $0x3  }
0x96: {  	_ =	strace s3  }
0x97: {  	_ =	strace $0x8FFFFFFF  }
0x98: {  	s19 =	sld [smem:$0x3FDB];
	_ =	sdelay $0x1  }
0x99: {  	s4 =	simm.s32 $_scs_section_size  }
0x9a: {  	s5 =	simm.s32 $_size__tile_overlayer_lowered;
	s6 =	simm.s32 $_tile_overlayer_lowered  }
0x9b: {  	s22 =	simm.s32 $0x1BFF;
	s21 =	sshll.u32 s6, $0x1;
	s3 =	sadd.s32 s4, s19  }
0x9c: {  	s7 =	simm.s32 $0x0;
	s20 =	sshll.u32 s5, $0x1;
	s5 =	sadd.s32 s21, s3  }
0x9d: {  	[timem:s7], [sflag:s22] =	dma.local [hbm:s5], s20  }
0x9e: {  	_ =	swait.ge [sflag:s22], s20  }
0x9f: {  	s4 =	ssub.s32 $0x0, s20;
	[sflag:s22] =	ssyncset.done $0x0  }
0xa0: {  	[sflag:s22] =	ssyncadd.s32 s4;
	_ =	sdelay $0x1  }
0xa1: {  	s23 =	simm.s32 $0x1B8B  }
0xa2: {  	_ =	swait.ge [sflag:s23], $0x1  }
0xa3: {  	[sflag:s23] =	ssyncset.done $0x0  }
0xa4: {  	s25 =	simm.s32 $0x1B8E;
	s24 =	sld [smem:$0x3FFE];
	[sflag:s23] =	ssyncadd.s32 $0xFFFFFFFF  }
0xa5: {  	s26 =	simm.s32 $execute0_lowered;
	[smem:$0x3FD2] =	sst s25  }
0xa6: {  	s5 =	sshll.u32 s26, $0x1;
	_ =	strace $0x80000046;
	[dreg:$0x1] =	wrdreg $0xFFFFFFFF  }
0xa7: {  	s28 =	simm.s32 $_size_execute0_lowered;
	s3 =	sadd.s32 s3, s5;
	[dreg:$0x0] =	wrdreg $0x0  }
0xa8: {  	s5 =	sshll.u32 s28, $0x1;
	[dreg:$0x2] =	wrdreg s3  }
0xa9: {  	[dreg:$0x3] =	wrdreg s5  }
0xaa: {  	[dreg:$0x4] =	wrdreg $0xC0  }
0xab: {  	_ =	task [dreg:s7], $0x5FFFF  }
0xac: {  	[dreg:$0x1] =	wrdreg $0xFFFFFFFF  }
0xad: {  	[dreg:$0x0] =	wrdreg $0x60  }
0xae: {  	[dreg:$0x2] =	wrdreg s24  }
0xaf: {  	[dreg:$0x3] =	wrdreg s2  }
0xb0: {  	[dreg:$0x4] =	wrdreg $0x9  }
0xb1: {  	_ =	task.clear_ibuf [dreg:s7], $0x5FFFF;
	_ =	strace $0x90000046  }
0xb2: {  	s29 =	simm.s32 $0x9;
	_ =	strace $0x80000048  }
0xb3: {  	_ =	swait.ge [sflag:s29], $0x1  }
0xb4: {  	[sflag:s29] =	ssyncadd.s32 $0xFFFFFFFF  }
0xb5: {  	_ =	strace $0x90000048  }
0xb6: {  	_ =	sfence  }
0xb7: {  	s30 =	sld [smem:$0x0];
	_ =	sdelay $0x2  }
0xb8: {  	s31 =	sshll.u32 s1, $0xD;
	s1 =	sshrl.u32 s1, $0x2  }
0xb9: {  	s3 =	sand.u32 $0x4000, s31;
	s1 =	sadd.s32 s1, s30  }
0xba: {  	s0 =	sor.u32 s3, s0;
	s1 =	sshll.u32 s1, $0x11  }
0xbb: {  	s0 =	sor.u32 s1, s0  }
0xbc: {  	s0 =	sadd.s32 $0x8F2B, s0  }
0xbd: {  	[sflag:s0] =	ssyncadd.remote.s32 $0x1  }
0xbe: {  	_ =	sfence.sel $0xFFFF  }
0xbf: {  	[dreg:$0x0] =	wrdreg $0xFFFFFFFF;
	(pc) =	sbr.abs _section_cstart, $3  }
0xc0: {  	[dreg:$0x1] =	wrdreg $0xFFFFFFFF  }
0xc1: {  	_ =	task.clear_ibuf [dreg:s7], $0x2FFFF;
	_ =	strace $0x9FFFFFFF  }
0xc2: {  	(tm) =	ssettm $0x7FFFFFFF  }
0xc3: {  	_ =	shalt  }
tec
execute0_lowered:
.L_overlay_start_1:
0x0: {  	(tag) =	ssettag $0x1  }
0x1: {  	s3 =	rddreg [dreg:$0x0]  }
0x2: {  	s4 =	rddreg [dreg:$0x1]  }
0x3: {  	s0 =	rddreg [dreg:$0x2];
	s5 =	srdreg.scid  }
0x4: {  	s2 =	simm.s32 $0x0;
	s1 =	stileid.u32;
	s6 =	sand.u32 $0x1, s5  }
0x5: {  	s9 =	simm.s32 $0x200;
	s7 =	sshll.u32 s6, $0x9;
	s6 =	ssub.s32 $0x2, s6  }
0x6: {  	s10 =	simm.s32 $0x280;
	s11 =	simm.s32 $0x4400;
	s31 =	sshrl.u32 s6, $0x1  }
0x7: {  	s12 =	simm.s32 $0x300;
	s13 =	simm.s32 $0x8400;
	s6 =	ssub.s32 s6, s31  }
0x8: {  	s14 =	simm.s32 $0x380;
	s15 =	simm.s32 $0xC400;
	s17 =	smax.u32 s6, $0x1  }
0x9: {  	p0 =	por $0x0, $0x0;
	s30 =	sshll.u32 s1, $0xA;
	p1 =	sne.s32 s17, $0x1  }
.Ltmp0:
0xa: {  	[smem:$0x7FF] =	sst s2;
	s7 =	sor.u32 s7, s30;
	(pc) =	sbr.rel @!p1 .LBB2_3-.Ltmp0, $4  }
0xb: {  	s5 =	sadd.s32 $0x1000, s3;
	s8 =	sshll.u32 s7, $0x4;
	s7 =	sshrl.u32 s7, $0x3  }
0xc: {  	_ =	strace $0x80000047;
	s3 =	sadd.s32 s8, s3;
	s16 =	sadd.s32 s4, s7  }
0xd: {  	s8 =	simm.s32 $0x80;
	s6 =	simm.s32 $0x400;
	s7 =	simm.s32 $0x1  }
0xe: {  	s4 =	sadd.s32 $0xE1000, s3;
	s3 =	simm.s32 $0x2;
	s17 =	sadd.s32 $0xFFFFFFFF, s17  }
0xf: {  	[tilespmem:s2], [sflag:$0x2] =	stream.linear.gather [hbm4b:s16+s2], $0x200, $0x38;
	[tilespmem:$0x10400] =	vst v63  }
0x10: {  	_ =	swait.ge [sflag:s3], $0x200  }
0x11: {  	[sflag:s3] =	ssyncset.done $0x0  }
0x12: {  	[sflag:s3] =	ssyncadd.s32 $0xFFFFFE00  }
0x13: {  	v0 =	vld [tilespmem:$0x190]  }
0x14: {  	v1 =	vld [tilespmem:$0x1A0]  }
0x15: {  	v2 =	vld [tilespmem:$0x140]  }
0x16: {  	v3 =	vld [tilespmem:$0x1E0]  }
0x17: {  	v4 =	vld [tilespmem:$0x1D0]  }
0x18: {  	v7 =	vld [tilespmem:$0x1F0]  }
0x19: {  	v8 =	vld [tilespmem:$0x80]  }
0x1a: {  	v35 =	vld [tilespmem:$0x1B0]  }
0x1b: {  	v11 =	vld [tilespmem:$0x30]  }
0x1c: {  	v37 =	vld [tilespmem:$0x70]  }
0x1d: {  	v38 =	vld [tilespmem:$0x20]  }
0x1e: {  	v15 =	vld [tilespmem:$0x60]  }
0x1f: {  	v39 =	vld [tilespmem:$0x10]  }
0x20: {  	v17 =	vld [tilespmem:$0xB0]  }
0x21: {  	v42 =	vld [tilespmem:$0x0];
	v5 =	vshra.s32 v0, $0x1  }
0x22: {  	v43 =	vld [tilespmem:$0x40];
	v0 =	vand.u32 $0x1FFF, v0;
	v6 =	vshra.s32 v1, $0x1;
	v9 =	vand.u32 $0x1FFF, v2  }
0x23: {  	v46 =	vld [tilespmem:$0x50];
	v2 =	vshra.s32 v2, $0x1;
	v1 =	vand.u32 $0x1FFF, v1;
	v10 =	vand.u32 $0x1FFF, v3  }
0x24: {  	v51 =	vld [tilespmem:$0xC0];
	v36 =	vshra.s32 v4, $0x1;
	v3 =	vshra.s32 v3, $0x1;
	v4 =	vand.u32 $0x1FFF, v4  }
0x25: {  	v53 =	vld [tilespmem:$0xA0];
	v12 =	vshra.s32 v7, $0x1;
	v7 =	vand.u32 $0x1FFF, v7;
	v13 =	vshra.s32 v8, $0x1  }
0x26: {  	v56 =	vld [tilespmem:$0x90];
	v8 =	vand.u32 $0x1FFF, v8;
	v14 =	vand.u32 $0x1FFF, v35;
	v16 =	vshra.s32 v11, $0x1  }
0x27: {  	v59 =	vld [tilespmem:$0x110];
	v41 =	vshra.s32 v37, $0x1;
	v11 =	vand.u32 $0x1FFF, v11;
	v44 =	vshra.s32 v38, $0x1  }
0x28: {  	v45 =	vand.u32 $0x1FFF, v15;
	v47 =	vshra.s32 v39, $0x1;
	v15 =	vshra.s32 v15, $0x1  }
0x29: {  	v48 =	vand.u32 $0x1FFF, v39;
	v50 =	vand.u32 $0x1FFF, v17;
	v54 =	vshra.s32 v17, $0x1  }
0x2a: {  	v55 =	vshra.s32 v42, $0x1;
	v58 =	vshra.s32 v43, $0x1;
	v60 =	vshra.s32 v46, $0x1  }
0x2b: {  	v18 =	vld [tilespmem:$0xF0];
	v63 =	vand.u32 $0x1FFF, v51;
	v21 =	vshra.s32 v53, $0x1;
	v23 =	vshra.s32 v56, $0x1  }
0x2c: {  	v22 =	vld [tilespmem:$0xD0];
	v25 =	vand.u32 $0x1FFF, v59;
	v27 =	vand.u32 $0x1FFF, v56;
	v5 =	vand.u32 $0xFFFFE000, v5  }
0x2d: {  	v26 =	vld [tilespmem:$0x180];
	v28 =	vand.u32 $0x1FFF, v53;
	v3 =	vand.u32 $0xFFFFE000, v3;
	v0 =	vor.u32 v0, v5  }
0x2e: {  	v29 =	vshra.s32 v59, $0x1;
	v13 =	vand.u32 $0xFFFFE000, v13;
	v3 =	vor.u32 v10, v3;
	[tilespmem:$0x390] =	vst v0  }
0x2f: {  	v30 =	vshra.s32 v51, $0x1;
	v12 =	vand.u32 $0xFFFFE000, v12;
	v8 =	vor.u32 v8, v13;
	[tilespmem:$0x3E0] =	vst v3  }
0x30: {  	v32 =	vshra.s32 v18, $0x1;
	v40 =	vand.u32 $0xFFFFE000, v16;
	v7 =	vor.u32 v7, v12;
	[tilespmem:$0x280] =	vst v8  }
0x31: {  	v33 =	vshra.s32 v22, $0x1;
	v49 =	vand.u32 $0xFFFFE000, v15;
	v10 =	vor.u32 v11, v40;
	[tilespmem:$0x3F0] =	vst v7  }
0x32: {  	v39 =	vand.u32 $0x1FFF, v26;
	v34 =	vand.u32 $0xFFFFE000, v6;
	v12 =	vor.u32 v45, v49;
	[tilespmem:$0x230] =	vst v10  }
0x33: {  	v61 =	vld [tilespmem:$0x100];
	v2 =	vand.u32 $0xFFFFE000, v2;
	v6 =	vshra.s32 v35, $0x1;
	v1 =	vor.u32 v1, v34;
	[tilespmem:$0x260] =	vst v12  }
0x34: {  	v16 =	vand.u32 $0xFFFFE000, v41;
	v2 =	vor.u32 v9, v2;
	v5 =	vand.u32 $0xFFFFE000, v36;
	[tilespmem:$0x3A0] =	vst v1  }
0x35: {  	v52 =	vand.u32 $0xFFFFE000, v47;
	v6 =	vand.u32 $0xFFFFE000, v6;
	v4 =	vor.u32 v4, v5;
	[tilespmem:$0x340] =	vst v2  }
0x36: {  	v57 =	vand.u32 $0xFFFFE000, v55;
	v9 =	vand.u32 $0x1FFF, v37;
	v6 =	vor.u32 v14, v6;
	[tilespmem:$0x3D0] =	vst v4  }
0x37: {  	v62 =	vand.u32 $0xFFFFE000, v60;
	v24 =	vand.u32 $0xFFFFE000, v23;
	v9 =	vor.u32 v9, v16;
	[tilespmem:$0x3B0] =	vst v6  }
0x38: {  	v41 =	vshra.s32 v61, $0x1;
	v13 =	vand.u32 $0xFFFFE000, v29;
	v7 =	vor.u32 v48, v52;
	[tilespmem:$0x270] =	vst v9  }
0x39: {  	v31 =	vld [tilespmem:$0x170];
	v11 =	vand.u32 $0xFFFFE000, v44;
	v5 =	vand.u32 $0x1FFF, v38;
	v8 =	vor.u32 v25, v13;
	[tilespmem:$0x210] =	vst v7  }
0x3a: {  	v34 =	vand.u32 $0x1FFF, v61;
	v14 =	vand.u32 $0xFFFFE000, v54;
	v5 =	vor.u32 v5, v11;
	[tilespmem:$0x310] =	vst v8  }
0x3b: {  	v36 =	vand.u32 $0xFFFFE000, v33;
	v3 =	vand.u32 $0x1FFF, v46;
	v14 =	vor.u32 v50, v14;
	[tilespmem:$0x220] =	vst v5  }
0x3c: {  	v51 =	vld [tilespmem:$0x1C0];
	v37 =	vand.u32 $0x1FFF, v22;
	v0 =	vand.u32 $0x1FFF, v42;
	v3 =	vor.u32 v3, v62;
	[tilespmem:$0x2B0] =	vst v14  }
0x3d: {  	v35 =	vld [tilespmem:$0xE0];
	v10 =	vand.u32 $0xFFFFE000, v58;
	v4 =	vand.u32 $0x1FFF, v43;
	v0 =	vor.u32 v0, v57;
	[tilespmem:$0x250] =	vst v3  }
0x3e: {  	v44 =	vshra.s32 v31, $0x1;
	v38 =	vand.u32 $0x1FFF, v18;
	v4 =	vor.u32 v4, v10;
	[tilespmem:$0x200] =	vst v0  }
0x3f: {  	v42 =	vand.u32 $0xFFFFE000, v41;
	v6 =	vand.u32 $0xFFFFE000, v32;
	v3 =	vor.u32 v27, v24;
	[tilespmem:$0x240] =	vst v4  }
0x40: {  	v11 =	vand.u32 $0xFFFFE000, v30;
	v5 =	vand.u32 $0xFFFFE000, v21;
	v6 =	vor.u32 v38, v6;
	[tilespmem:$0x290] =	vst v3  }
0x41: {  	v40 =	vld [tilespmem:$0x120];
	v10 =	vshra.s32 v26, $0x1;
	v9 =	vor.u32 v63, v11;
	v57 =	vshra.s32 v51, $0x1;
	[tilespmem:$0x2F0] =	vst v6  }
0x42: {  	v46 =	vld [tilespmem:$0x130];
	v60 =	vand.u32 $0x1FFF, v51;
	v5 =	vor.u32 v28, v5;
	v45 =	vshra.s32 v35, $0x1;
	[tilespmem:$0x2C0] =	vst v9  }
0x43: {  	v48 =	vld [tilespmem:$0x160];
	v4 =	vand.u32 $0x1FFF, v31;
	v6 =	vand.u32 $0xFFFFE000, v44;
	v3 =	vor.u32 v34, v42;
	[tilespmem:$0x2A0] =	vst v5  }
0x44: {  	v43 =	vld [tilespmem:$0x150];
	v0 =	vand.u32 $0x1FFF, v35;
	v50 =	vand.u32 $0xFFFFE000, v10;
	v4 =	vor.u32 v4, v6;
	[tilespmem:$0x300] =	vst v3  }
0x45: {  	v59 =	vand.u32 $0xFFFFE000, v57;
	v47 =	vand.u32 $0xFFFFE000, v45;
	v5 =	vor.u32 v37, v36;
	[tilespmem:$0x370] =	vst v4  }
0x46: {  	v49 =	vand.u32 $0x1FFF, v40;
	v1 =	vshra.s32 v40, $0x1;
	v62 =	vor.u32 v60, v59;
	[tilespmem:$0x2D0] =	vst v5  }
0x47: {  	v4 =	vor.u32 v39, v50;
	v0 =	vor.u32 v0, v47;
	v1 =	vand.u32 $0xFFFFE000, v1;
	[tilespmem:$0x3C0] =	vst v62  }
0x48: {  	v53 =	vshra.s32 v46, $0x1;
	v54 =	vshra.s32 v48, $0x1;
	v56 =	vand.u32 $0x1FFF, v48;
	[tilespmem:$0x380] =	vst v4  }
0x49: {  	v52 =	vshra.s32 v43, $0x1;
	v1 =	vor.u32 v49, v1;
	v55 =	vand.u32 $0xFFFFE000, v54;
	[tilespmem:$0x2E0] =	vst v0  }
0x4a: {  	v2 =	vand.u32 $0x1FFF, v43;
	v3 =	vand.u32 $0xFFFFE000, v52;
	[tilespmem:$0x320] =	vst v1;
	v58 =	vor.u32 v56, v55  }
0x4b: {  	v61 =	vand.u32 $0x1FFF, v46;
	v2 =	vor.u32 v2, v3;
	v3 =	vand.u32 $0xFFFFE000, v53;
	[tilespmem:$0x360] =	vst v58  }
0x4c: {  	[tilespmem:$0x350] =	vst v2;
	v63 =	vor.u32 v61, v3  }
0x4d: {  	[tilespmem:$0x330] =	vst v63  }
0x4e: {  	[tilespmem:s6], [sflag:$0x1] =	stream.indirect.gather [hbm4b:s5+s8], $0x80, s9, s8, $0xb8;
	[tilespmem:$0x10400] =	vst v63  }
0x4f: {  	_ = 	snop  }
0x50: {  	[tilespmem:s11], [sflag:$0x1] =	stream.indirect.gather [hbm4b:s5+s8], $0x80, s10, s8, $0xb8;
	[tilespmem:$0x10400] =	vst v63  }
0x51: {  	_ = 	snop  }
0x52: {  	[tilespmem:s13], [sflag:$0x1] =	stream.indirect.gather [hbm4b:s5+s8], $0x80, s12, s8, $0xb8;
	[tilespmem:$0x10400] =	vst v63  }
0x53: {  	_ = 	snop  }
0x54: {  	[tilespmem:s15], [sflag:$0x1] =	stream.indirect.gather [hbm4b:s5+s8], $0x80, s14, s8, $0xb8;
	[tilespmem:$0x10400] =	vst v63  }
0x55: {  	_ =	swait.ge [sflag:s7], $0x4000  }
0x56: {  	[sflag:s7] =	ssyncset.done $0x0  }
0x57: {  	[sflag:s7] =	ssyncadd.s32 $0xFFFFC000  }
0x58: {  	_ =	swait.ge [sflag:s7], $0x4000  }
0x59: {  	[sflag:s7] =	ssyncset.done $0x0  }
0x5a: {  	[sflag:s7] =	ssyncadd.s32 $0xFFFFC000  }
0x5b: {  	_ =	swait.ge [sflag:s7], $0x4000  }
0x5c: {  	[sflag:s7] =	ssyncset.done $0x0  }
0x5d: {  	p1 =	sne.s32 s17, $0x1;
	[sflag:s7] =	ssyncadd.s32 $0xFFFFC000  }
.Ltmp1:
0x5e: {  	_ =	swait.ge [sflag:s7], $0x4000;
	(pc) =	sbr.rel @!p1 .LBB2_3-.Ltmp1, $4  }
0x5f: {  	[sflag:s7] =	ssyncset.done $0x0  }
0x60: {  	[sflag:s7] =	ssyncadd.s32 $0xFFFFC000  }
0x61: {  	[hbm4b:s4+s2] =	stream.linear.scatter [tilespmem:s6], [sflag:$0x2], $0x10000, $0x38;
	[tilespmem:$0x10400] =	vst v63  }
0x62: {  	s17 =	sadd.s32 $0xFFFFFFFF, s17;
	p0 =	por $0x1, $0x1;
	_ =	swait.ge [sflag:s3], $0x10000  }
.LBB2_2:
0x63: {  	p1 =	sne.s32 s17, $0x1;
	s17 =	sadd.s32 $0xFFFFFFFF, s17;
	[sflag:s3] =	ssyncset.done $0x0  }
0x64: {  	[sflag:s3] =	ssyncadd.s32 $0xFFFF0000  }
0x65: {  	[tilespmem:s2], [sflag:$0x2] =	stream.linear.gather [hbm4b:s16+s2], $0x200, $0x38;
	[tilespmem:$0x10400] =	vst v63  }
0x66: {  	_ =	swait.ge [sflag:s3], $0x200  }
0x67: {  	[sflag:s3] =	ssyncset.done $0x0  }
0x68: {  	[sflag:s3] =	ssyncadd.s32 $0xFFFFFE00  }
0x69: {  	v0 =	vld [tilespmem:$0x190]  }
0x6a: {  	v1 =	vld [tilespmem:$0x1A0]  }
0x6b: {  	v2 =	vld [tilespmem:$0x140]  }
0x6c: {  	v3 =	vld [tilespmem:$0x1E0]  }
0x6d: {  	v4 =	vld [tilespmem:$0x1D0]  }
0x6e: {  	v5 =	vshra.s32 v0, $0x1  }
0x6f: {  	v0 =	vand.u32 $0x1FFF, v0;
	v5 =	vand.u32 $0xFFFFE000, v5;
	v6 =	vshra.s32 v1, $0x1;
	v7 =	vld [tilespmem:$0x1F0]  }
0x70: {  	v8 =	vld [tilespmem:$0x80];
	v9 =	vand.u32 $0x1FFF, v2;
	v5 =	vor.u32 v0, v5;
	v0 =	vand.u32 $0xFFFFE000, v6  }
0x71: {  	v1 =	vand.u32 $0x1FFF, v1;
	v2 =	vshra.s32 v2, $0x1;
	v6 =	vld [tilespmem:$0x1B0];
	v10 =	vand.u32 $0x1FFF, v3  }
0x72: {  	v2 =	vand.u32 $0xFFFFE000, v2;
	v1 =	vor.u32 v1, v0;
	v11 =	vld [tilespmem:$0x30];
	v12 =	vshra.s32 v4, $0x1  }
0x73: {  	v3 =	vshra.s32 v3, $0x1;
	v0 =	vor.u32 v9, v2;
	v13 =	vld [tilespmem:$0x70];
	v2 =	vand.u32 $0xFFFFE000, v12  }
0x74: {  	v4 =	vand.u32 $0x1FFF, v4;
	v9 =	vshra.s32 v7, $0x1;
	v7 =	vand.u32 $0x1FFF, v7  }
0x75: {  	v3 =	vand.u32 $0xFFFFE000, v3;
	v2 =	vor.u32 v4, v2;
	v12 =	vld [tilespmem:$0x20];
	v14 =	vshra.s32 v8, $0x1  }
0x76: {  	v8 =	vand.u32 $0x1FFF, v8;
	v4 =	vand.u32 $0xFFFFE000, v14;
	[tilespmem:$0x390] =	vst v5;
	v5 =	vand.u32 $0x1FFF, v6  }
0x77: {  	v6 =	vshra.s32 v6, $0x1;
	v14 =	vld [tilespmem:$0x60];
	v4 =	vor.u32 v8, v4;
	[tilespmem:$0x3D0] =	vst v2;
	v2 =	vand.u32 $0xFFFFE000, v9  }
0x78: {  	v3 =	vor.u32 v10, v3;
	v9 =	vshra.s32 v11, $0x1;
	v6 =	vand.u32 $0xFFFFE000, v6;
	v8 =	vld [tilespmem:$0x10]  }
0x79: {  	v9 =	vand.u32 $0xFFFFE000, v9;
	v10 =	vshra.s32 v13, $0x1;
	v13 =	vand.u32 $0x1FFF, v13;
	v15 =	vld [tilespmem:$0xB0];
	[tilespmem:$0x3E0] =	vst v3  }
0x7a: {  	v11 =	vand.u32 $0x1FFF, v11;
	v2 =	vor.u32 v7, v2;
	v10 =	vand.u32 $0xFFFFE000, v10;
	v3 =	vld [tilespmem:$0x0];
	[tilespmem:$0x280] =	vst v4  }
0x7b: {  	v5 =	vor.u32 v5, v6;
	v4 =	vor.u32 v11, v9;
	v9 =	vor.u32 v13, v10;
	v7 =	vld [tilespmem:$0x40]  }
0x7c: {  	v6 =	vshra.s32 v12, $0x1;
	v10 =	vand.u32 $0x1FFF, v12;
	v11 =	vld [tilespmem:$0x50];
	v12 =	vand.u32 $0x1FFF, v14;
	[tilespmem:$0x3F0] =	vst v2  }
0x7d: {  	v6 =	vand.u32 $0xFFFFE000, v6;
	v2 =	vshra.s32 v8, $0x1;
	[tilespmem:$0x230] =	vst v4;
	v4 =	vshra.s32 v14, $0x1  }
0x7e: {  	v8 =	vand.u32 $0x1FFF, v8;
	v4 =	vand.u32 $0xFFFFE000, v4;
	v13 =	vand.u32 $0x1FFF, v15;
	v14 =	vld [tilespmem:$0xC0];
	[tilespmem:$0x3B0] =	vst v5  }
0x7f: {  	v2 =	vand.u32 $0xFFFFE000, v2;
	v4 =	vor.u32 v12, v4;
	[tilespmem:$0x270] =	vst v9;
	v5 =	vld [tilespmem:$0xA0];
	v9 =	vshra.s32 v15, $0x1  }
0x80: {  	v6 =	vor.u32 v10, v6;
	v12 =	vshra.s32 v3, $0x1;
	v10 =	vld [tilespmem:$0x90];
	v9 =	vand.u32 $0xFFFFE000, v9  }
0x81: {  	v12 =	vand.u32 $0xFFFFE000, v12;
	[tilespmem:$0x220] =	vst v6;
	v6 =	vshra.s32 v7, $0x1;
	v9 =	vor.u32 v13, v9;
	v13 =	vld [tilespmem:$0x110]  }
0x82: {  	v3 =	vand.u32 $0x1FFF, v3;
	v15 =	vshra.s32 v11, $0x1;
	v11 =	vand.u32 $0x1FFF, v11;
	[tilespmem:$0x260] =	vst v4;
	v4 =	vld [tilespmem:$0x100]  }
0x83: {  	v7 =	vand.u32 $0x1FFF, v7;
	v15 =	vand.u32 $0xFFFFE000, v15;
	v16 =	vand.u32 $0x1FFF, v14;
	v17 =	vld [tilespmem:$0xF0]  }
0x84: {  	v6 =	vand.u32 $0xFFFFE000, v6;
	v11 =	vor.u32 v11, v15;
	v15 =	vshra.s32 v5, $0x1;
	v18 =	vld [tilespmem:$0xD0]  }
0x85: {  	v2 =	vor.u32 v8, v2;
	v6 =	vor.u32 v7, v6;
	v7 =	vshra.s32 v10, $0x1;
	[tilespmem:$0x2B0] =	vst v9  }
0x86: {  	[tilespmem:$0x210] =	vst v2;
	v2 =	vand.u32 $0xFFFFE000, v7;
	v7 =	vand.u32 $0xFFFFE000, v15;
	v8 =	vand.u32 $0x1FFF, v13;
	v9 =	vld [tilespmem:$0x180]  }
0x87: {  	v5 =	vand.u32 $0x1FFF, v5;
	v10 =	vand.u32 $0x1FFF, v10;
	[tilespmem:$0x250] =	vst v11;
	v11 =	vshra.s32 v13, $0x1;
	v13 =	vld [tilespmem:$0x170]  }
0x88: {  	v5 =	vor.u32 v5, v7;
	v7 =	vshra.s32 v14, $0x1;
	v14 =	vshra.s32 v17, $0x1;
	v15 =	vld [tilespmem:$0x120]  }
0x89: {  	v3 =	vor.u32 v3, v12;
	v19 =	vand.u32 $0x1FFF, v4;
	[tilespmem:$0x240] =	vst v6;
	v6 =	vshra.s32 v18, $0x1;
	v12 =	vld [tilespmem:$0xE0]  }
0x8a: {  	v2 =	vor.u32 v10, v2;
	[tilespmem:$0x200] =	vst v3;
	v3 =	vand.u32 $0xFFFFE000, v6;
	v6 =	vand.u32 $0xFFFFE000, v14  }
0x8b: {  	v10 =	vand.u32 $0x1FFF, v17;
	[tilespmem:$0x2A0] =	vst v5;
	v5 =	vand.u32 $0x1FFF, v18;
	v14 =	vand.u32 $0x1FFF, v9  }
0x8c: {  	v4 =	vshra.s32 v4, $0x1;
	v6 =	vor.u32 v10, v6;
	v10 =	vand.u32 $0xFFFFE000, v11;
	[tilespmem:$0x3A0] =	vst v1  }
0x8d: {  	v1 =	vand.u32 $0xFFFFE000, v4;
	v4 =	vshra.s32 v9, $0x1;
	[tilespmem:$0x290] =	vst v2;
	v2 =	vor.u32 v8, v10  }
0x8e: {  	v7 =	vand.u32 $0xFFFFE000, v7;
	v9 =	vand.u32 $0x1FFF, v13;
	v8 =	vshra.s32 v12, $0x1;
	[tilespmem:$0x340] =	vst v0;
	v0 =	vld [tilespmem:$0x150]  }
0x8f: {  	v7 =	vor.u32 v16, v7;
	v10 =	vshra.s32 v13, $0x1;
	v8 =	vand.u32 $0xFFFFE000, v8;
	[tilespmem:$0x2F0] =	vst v6;
	v6 =	vld [tilespmem:$0x130]  }
0x90: {  	v11 =	vand.u32 $0x1FFF, v15;
	v10 =	vand.u32 $0xFFFFE000, v10;
	[tilespmem:$0x2C0] =	vst v7;
	v7 =	vand.u32 $0x1FFF, v12  }
0x91: {  	v9 =	vor.u32 v9, v10;
	v7 =	vor.u32 v7, v8;
	[tilespmem:$0x310] =	vst v2;
	v2 =	vshra.s32 v15, $0x1;
	v8 =	vld [tilespmem:$0x160]  }
0x92: {  	v1 =	vor.u32 v19, v1;
	v4 =	vand.u32 $0xFFFFE000, v4;
	v2 =	vand.u32 $0xFFFFE000, v2;
	[tilespmem:$0x370] =	vst v9;
	v9 =	vld [tilespmem:$0x1C0]  }
0x93: {  	v3 =	vor.u32 v5, v3;
	v4 =	vor.u32 v14, v4;
	[tilespmem:$0x300] =	vst v1;
	v1 =	vshra.s32 v0, $0x1  }
0x94: {  	v0 =	vand.u32 $0x1FFF, v0;
	v5 =	vshra.s32 v6, $0x1;
	v1 =	vand.u32 $0xFFFFE000, v1;
	[tilespmem:$0x380] =	vst v4  }
0x95: {  	v4 =	vand.u32 $0x1FFF, v6;
	[tilespmem:$0x2D0] =	vst v3;
	v3 =	vand.u32 $0xFFFFE000, v5;
	v0 =	vor.u32 v0, v1  }
0x96: {  	v1 =	vor.u32 v11, v2;
	v2 =	vor.u32 v4, v3;
	[tilespmem:$0x350] =	vst v0;
	v0 =	vshra.s32 v8, $0x1  }
0x97: {  	[tilespmem:$0x320] =	vst v1;
	v0 =	vand.u32 $0xFFFFE000, v0;
	v1 =	vand.u32 $0x1FFF, v8;
	v3 =	vshra.s32 v9, $0x1  }
0x98: {  	[tilespmem:$0x2E0] =	vst v7;
	v0 =	vor.u32 v1, v0;
	v1 =	vand.u32 $0xFFFFE000, v3;
	v3 =	vand.u32 $0x1FFF, v9  }
0x99: {  	[tilespmem:$0x360] =	vst v0;
	v0 =	vor.u32 v3, v1  }
0x9a: {  	[tilespmem:$0x3C0] =	vst v0  }
0x9b: {  	[tilespmem:$0x330] =	vst v2  }
0x9c: {  	[tilespmem:s6], [sflag:$0x1] =	stream.indirect.gather [hbm4b:s5+s8], $0x80, s9, s8, $0xb8;
	[tilespmem:$0x10400] =	vst v63  }
0x9d: {  	_ = 	snop  }
0x9e: {  	[tilespmem:s11], [sflag:$0x1] =	stream.indirect.gather [hbm4b:s5+s8], $0x80, s10, s8, $0xb8;
	[tilespmem:$0x10400] =	vst v63  }
0x9f: {  	_ = 	snop  }
0xa0: {  	[tilespmem:s13], [sflag:$0x1] =	stream.indirect.gather [hbm4b:s5+s8], $0x80, s12, s8, $0xb8;
	[tilespmem:$0x10400] =	vst v63  }
0xa1: {  	_ = 	snop  }
0xa2: {  	[tilespmem:s15], [sflag:$0x1] =	stream.indirect.gather [hbm4b:s5+s8], $0x80, s14, s8, $0xb8;
	[tilespmem:$0x10400] =	vst v63  }
0xa3: {  	_ =	swait.ge [sflag:s7], $0x4000  }
0xa4: {  	[sflag:s7] =	ssyncset.done $0x0  }
0xa5: {  	[sflag:s7] =	ssyncadd.s32 $0xFFFFC000  }
0xa6: {  	_ =	swait.ge [sflag:s7], $0x4000  }
0xa7: {  	[sflag:s7] =	ssyncset.done $0x0  }
0xa8: {  	[sflag:s7] =	ssyncadd.s32 $0xFFFFC000  }
0xa9: {  	_ =	swait.ge [sflag:s7], $0x4000  }
0xaa: {  	[sflag:s7] =	ssyncset.done $0x0  }
0xab: {  	[sflag:s7] =	ssyncadd.s32 $0xFFFFC000  }
.Ltmp2:
0xac: {  	_ =	swait.ge [sflag:s7], $0x4000;
	(pc) =	sbr.rel @p1 .LBB2_2-.Ltmp2, $4  }
0xad: {  	[sflag:s7] =	ssyncset.done $0x0  }
0xae: {  	[sflag:s7] =	ssyncadd.s32 $0xFFFFC000  }
0xaf: {  	[hbm4b:s4+s2] =	stream.linear.scatter [tilespmem:s6], [sflag:$0x2], $0x10000, $0x38;
	[tilespmem:$0x10400] =	vst v63  }
0xb0: {  	_ =	swait.ge [sflag:s3], $0x10000  }
.LBB2_3:
0xb1: {  	[sflag:s3] =	ssyncset.done @p0 $0x0  }
0xb2: {  	[sflag:s3] =	ssyncadd.s32 @p0 $0xFFFF0000  }
0xb3: {  	[tilespmem:s2], [sflag:$0x2] =	stream.linear.gather [hbm4b:s16+s2], $0x200, $0x38;
	[tilespmem:$0x10400] =	vst v63  }
0xb4: {  	_ =	swait.ge [sflag:s3], $0x200  }
0xb5: {  	[sflag:s3] =	ssyncset.done $0x0  }
0xb6: {  	[sflag:s3] =	ssyncadd.s32 $0xFFFFFE00  }
0xb7: {  	v0 =	vld [tilespmem:$0x190]  }
0xb8: {  	v1 =	vld [tilespmem:$0x1A0]  }
0xb9: {  	v2 =	vld [tilespmem:$0x140]  }
0xba: {  	v3 =	vld [tilespmem:$0x1E0]  }
0xbb: {  	v4 =	vld [tilespmem:$0x1D0]  }
0xbc: {  	v7 =	vld [tilespmem:$0x1F0]  }
0xbd: {  	v8 =	vld [tilespmem:$0x80]  }
0xbe: {  	v35 =	vld [tilespmem:$0x1B0]  }
0xbf: {  	v11 =	vld [tilespmem:$0x30]  }
0xc0: {  	v37 =	vld [tilespmem:$0x70]  }
0xc1: {  	v38 =	vld [tilespmem:$0x20]  }
0xc2: {  	v15 =	vld [tilespmem:$0x60]  }
0xc3: {  	v39 =	vld [tilespmem:$0x10]  }
0xc4: {  	v17 =	vld [tilespmem:$0xB0]  }
0xc5: {  	v42 =	vld [tilespmem:$0x0];
	v5 =	vshra.s32 v0, $0x1  }
0xc6: {  	v43 =	vld [tilespmem:$0x40];
	v0 =	vand.u32 $0x1FFF, v0;
	v6 =	vshra.s32 v1, $0x1;
	v9 =	vand.u32 $0x1FFF, v2  }
0xc7: {  	v46 =	vld [tilespmem:$0x50];
	v2 =	vshra.s32 v2, $0x1;
	v1 =	vand.u32 $0x1FFF, v1;
	v10 =	vand.u32 $0x1FFF, v3  }
0xc8: {  	v51 =	vld [tilespmem:$0xC0];
	v36 =	vshra.s32 v4, $0x1;
	v3 =	vshra.s32 v3, $0x1;
	v4 =	vand.u32 $0x1FFF, v4  }
0xc9: {  	v53 =	vld [tilespmem:$0xA0];
	v12 =	vshra.s32 v7, $0x1;
	v7 =	vand.u32 $0x1FFF, v7;
	v13 =	vshra.s32 v8, $0x1  }
0xca: {  	v56 =	vld [tilespmem:$0x90];
	v8 =	vand.u32 $0x1FFF, v8;
	v14 =	vand.u32 $0x1FFF, v35;
	v16 =	vshra.s32 v11, $0x1  }
0xcb: {  	v59 =	vld [tilespmem:$0x110];
	v41 =	vshra.s32 v37, $0x1;
	v11 =	vand.u32 $0x1FFF, v11;
	v44 =	vshra.s32 v38, $0x1  }
0xcc: {  	v45 =	vand.u32 $0x1FFF, v15;
	v47 =	vshra.s32 v39, $0x1;
	v15 =	vshra.s32 v15, $0x1  }
0xcd: {  	v48 =	vand.u32 $0x1FFF, v39;
	v50 =	vand.u32 $0x1FFF, v17;
	v54 =	vshra.s32 v17, $0x1  }
0xce: {  	v55 =	vshra.s32 v42, $0x1;
	v58 =	vshra.s32 v43, $0x1;
	v60 =	vshra.s32 v46, $0x1  }
0xcf: {  	v18 =	vld [tilespmem:$0xF0];
	v63 =	vand.u32 $0x1FFF, v51;
	v21 =	vshra.s32 v53, $0x1;
	v23 =	vshra.s32 v56, $0x1  }
0xd0: {  	v22 =	vld [tilespmem:$0xD0];
	v25 =	vand.u32 $0x1FFF, v59;
	v27 =	vand.u32 $0x1FFF, v56;
	v5 =	vand.u32 $0xFFFFE000, v5  }
0xd1: {  	v26 =	vld [tilespmem:$0x180];
	v28 =	vand.u32 $0x1FFF, v53;
	v3 =	vand.u32 $0xFFFFE000, v3;
	v0 =	vor.u32 v0, v5  }
0xd2: {  	v29 =	vshra.s32 v59, $0x1;
	v13 =	vand.u32 $0xFFFFE000, v13;
	v3 =	vor.u32 v10, v3;
	[tilespmem:$0x390] =	vst v0  }
0xd3: {  	v30 =	vshra.s32 v51, $0x1;
	v12 =	vand.u32 $0xFFFFE000, v12;
	v8 =	vor.u32 v8, v13;
	[tilespmem:$0x3E0] =	vst v3  }
0xd4: {  	v32 =	vshra.s32 v18, $0x1;
	v40 =	vand.u32 $0xFFFFE000, v16;
	v7 =	vor.u32 v7, v12;
	[tilespmem:$0x280] =	vst v8  }
0xd5: {  	v33 =	vshra.s32 v22, $0x1;
	v49 =	vand.u32 $0xFFFFE000, v15;
	v10 =	vor.u32 v11, v40;
	[tilespmem:$0x3F0] =	vst v7  }
0xd6: {  	v39 =	vand.u32 $0x1FFF, v26;
	v34 =	vand.u32 $0xFFFFE000, v6;
	v12 =	vor.u32 v45, v49;
	[tilespmem:$0x230] =	vst v10  }
0xd7: {  	v61 =	vld [tilespmem:$0x100];
	v2 =	vand.u32 $0xFFFFE000, v2;
	v6 =	vshra.s32 v35, $0x1;
	v1 =	vor.u32 v1, v34;
	[tilespmem:$0x260] =	vst v12  }
0xd8: {  	v16 =	vand.u32 $0xFFFFE000, v41;
	v2 =	vor.u32 v9, v2;
	v5 =	vand.u32 $0xFFFFE000, v36;
	[tilespmem:$0x3A0] =	vst v1  }
0xd9: {  	v52 =	vand.u32 $0xFFFFE000, v47;
	v6 =	vand.u32 $0xFFFFE000, v6;
	v4 =	vor.u32 v4, v5;
	[tilespmem:$0x340] =	vst v2  }
0xda: {  	v57 =	vand.u32 $0xFFFFE000, v55;
	v9 =	vand.u32 $0x1FFF, v37;
	v6 =	vor.u32 v14, v6;
	[tilespmem:$0x3D0] =	vst v4  }
0xdb: {  	v62 =	vand.u32 $0xFFFFE000, v60;
	v24 =	vand.u32 $0xFFFFE000, v23;
	v9 =	vor.u32 v9, v16;
	[tilespmem:$0x3B0] =	vst v6  }
0xdc: {  	v41 =	vshra.s32 v61, $0x1;
	v13 =	vand.u32 $0xFFFFE000, v29;
	v7 =	vor.u32 v48, v52;
	[tilespmem:$0x270] =	vst v9  }
0xdd: {  	v31 =	vld [tilespmem:$0x170];
	v11 =	vand.u32 $0xFFFFE000, v44;
	v5 =	vand.u32 $0x1FFF, v38;
	v8 =	vor.u32 v25, v13;
	[tilespmem:$0x210] =	vst v7  }
0xde: {  	v34 =	vand.u32 $0x1FFF, v61;
	v14 =	vand.u32 $0xFFFFE000, v54;
	v5 =	vor.u32 v5, v11;
	[tilespmem:$0x310] =	vst v8  }
0xdf: {  	v36 =	vand.u32 $0xFFFFE000, v33;
	v3 =	vand.u32 $0x1FFF, v46;
	v14 =	vor.u32 v50, v14;
	[tilespmem:$0x220] =	vst v5  }
0xe0: {  	v51 =	vld [tilespmem:$0x1C0];
	v37 =	vand.u32 $0x1FFF, v22;
	v0 =	vand.u32 $0x1FFF, v42;
	v3 =	vor.u32 v3, v62;
	[tilespmem:$0x2B0] =	vst v14  }
0xe1: {  	v35 =	vld [tilespmem:$0xE0];
	v10 =	vand.u32 $0xFFFFE000, v58;
	v4 =	vand.u32 $0x1FFF, v43;
	v0 =	vor.u32 v0, v57;
	[tilespmem:$0x250] =	vst v3  }
0xe2: {  	v44 =	vshra.s32 v31, $0x1;
	v38 =	vand.u32 $0x1FFF, v18;
	v4 =	vor.u32 v4, v10;
	[tilespmem:$0x200] =	vst v0  }
0xe3: {  	v42 =	vand.u32 $0xFFFFE000, v41;
	v6 =	vand.u32 $0xFFFFE000, v32;
	v3 =	vor.u32 v27, v24;
	[tilespmem:$0x240] =	vst v4  }
0xe4: {  	v11 =	vand.u32 $0xFFFFE000, v30;
	v5 =	vand.u32 $0xFFFFE000, v21;
	v6 =	vor.u32 v38, v6;
	[tilespmem:$0x290] =	vst v3  }
0xe5: {  	v40 =	vld [tilespmem:$0x120];
	v10 =	vshra.s32 v26, $0x1;
	v9 =	vor.u32 v63, v11;
	v57 =	vshra.s32 v51, $0x1;
	[tilespmem:$0x2F0] =	vst v6  }
0xe6: {  	v46 =	vld [tilespmem:$0x130];
	v60 =	vand.u32 $0x1FFF, v51;
	v5 =	vor.u32 v28, v5;
	v45 =	vshra.s32 v35, $0x1;
	[tilespmem:$0x2C0] =	vst v9  }
0xe7: {  	v48 =	vld [tilespmem:$0x160];
	v4 =	vand.u32 $0x1FFF, v31;
	v6 =	vand.u32 $0xFFFFE000, v44;
	v3 =	vor.u32 v34, v42;
	[tilespmem:$0x2A0] =	vst v5  }
0xe8: {  	v43 =	vld [tilespmem:$0x150];
	v0 =	vand.u32 $0x1FFF, v35;
	v50 =	vand.u32 $0xFFFFE000, v10;
	v4 =	vor.u32 v4, v6;
	[tilespmem:$0x300] =	vst v3  }
0xe9: {  	v59 =	vand.u32 $0xFFFFE000, v57;
	v47 =	vand.u32 $0xFFFFE000, v45;
	v5 =	vor.u32 v37, v36;
	[tilespmem:$0x370] =	vst v4  }
0xea: {  	v49 =	vand.u32 $0x1FFF, v40;
	v1 =	vshra.s32 v40, $0x1;
	v62 =	vor.u32 v60, v59;
	[tilespmem:$0x2D0] =	vst v5  }
0xeb: {  	v4 =	vor.u32 v39, v50;
	v0 =	vor.u32 v0, v47;
	v1 =	vand.u32 $0xFFFFE000, v1;
	[tilespmem:$0x3C0] =	vst v62  }
0xec: {  	v53 =	vshra.s32 v46, $0x1;
	v54 =	vshra.s32 v48, $0x1;
	v56 =	vand.u32 $0x1FFF, v48;
	[tilespmem:$0x380] =	vst v4  }
0xed: {  	v52 =	vshra.s32 v43, $0x1;
	v1 =	vor.u32 v49, v1;
	v55 =	vand.u32 $0xFFFFE000, v54;
	[tilespmem:$0x2E0] =	vst v0  }
0xee: {  	v2 =	vand.u32 $0x1FFF, v43;
	v3 =	vand.u32 $0xFFFFE000, v52;
	[tilespmem:$0x320] =	vst v1;
	v58 =	vor.u32 v56, v55  }
0xef: {  	v61 =	vand.u32 $0x1FFF, v46;
	v2 =	vor.u32 v2, v3;
	v3 =	vand.u32 $0xFFFFE000, v53;
	[tilespmem:$0x360] =	vst v58  }
0xf0: {  	[tilespmem:$0x350] =	vst v2;
	v63 =	vor.u32 v61, v3  }
0xf1: {  	[tilespmem:$0x330] =	vst v63  }
0xf2: {  	[tilespmem:s6], [sflag:$0x1] =	stream.indirect.gather [hbm4b:s5+s8], $0x80, s9, s8, $0xb8;
	[tilespmem:$0x10400] =	vst v63  }
0xf3: {  	_ = 	snop  }
0xf4: {  	[tilespmem:s11], [sflag:$0x1] =	stream.indirect.gather [hbm4b:s5+s8], $0x80, s10, s8, $0xb8;
	[tilespmem:$0x10400] =	vst v63  }
0xf5: {  	_ = 	snop  }
0xf6: {  	[tilespmem:s13], [sflag:$0x1] =	stream.indirect.gather [hbm4b:s5+s8], $0x80, s12, s8, $0xb8;
	[tilespmem:$0x10400] =	vst v63  }
0xf7: {  	_ = 	snop  }
0xf8: {  	[tilespmem:s15], [sflag:$0x1] =	stream.indirect.gather [hbm4b:s5+s8], $0x80, s14, s8, $0xb8;
	[tilespmem:$0x10400] =	vst v63  }
0xf9: {  	_ =	swait.ge [sflag:s7], $0x4000  }
0xfa: {  	[sflag:s7] =	ssyncset.done $0x0  }
0xfb: {  	[sflag:s7] =	ssyncadd.s32 $0xFFFFC000  }
0xfc: {  	_ =	swait.ge [sflag:s7], $0x4000  }
0xfd: {  	[sflag:s7] =	ssyncset.done $0x0  }
0xfe: {  	[sflag:s7] =	ssyncadd.s32 $0xFFFFC000  }
0xff: {  	_ =	swait.ge [sflag:s7], $0x4000  }
0x100: {  	[sflag:s7] =	ssyncset.done $0x0  }
0x101: {  	[sflag:s7] =	ssyncadd.s32 $0xFFFFC000  }
0x102: {  	_ =	swait.ge [sflag:s7], $0x4000  }
0x103: {  	[sflag:s7] =	ssyncset.done $0x0  }
0x104: {  	[sflag:s7] =	ssyncadd.s32 $0xFFFFC000  }
0x105: {  	[hbm4b:s4+s2] =	stream.linear.scatter [tilespmem:s6], [sflag:$0x2], $0x10000, $0x38;
	[tilespmem:$0x10400] =	vst v63  }
0x106: {  	_ =	swait.ge [sflag:s3], $0x10000  }
0x107: {  	[sflag:s3] =	ssyncset.done $0x0  }
0x108: {  	[sflag:s3] =	ssyncadd.s32 $0xFFFF0000  }
0x109: {  	_ =	sfence.sel $0x180000  }
0x10a: {  	[bflag:$0x0] =	sbarrier.arrive $0xFFFF  }
0x10b: {  	p0 =	sne.s32 s1, $0x0;
	_ =	strace $0x90000047  }
0x10c: {  	s0 =	sadd.s32 @!p0 $0x100000, s0;
	[bflag:$0x2] =	sbarrier.arrive $0xFFFF  }
0x10d: {  	[sflag:s0] =	ssyncadd.tile.s32 @!p0 $0x1;
	_ =	shalt  }
.Lfunc_end2:
_tile_overlayer_lowered:
.L_overlay_start_2:
0x10e: {  	(tag) =	ssettag $0x2  }
0x10f: {  	s0 =	rddreg [dreg:$0x0];
	s2 =	stileid.u32  }
0x110: {  	s1 =	rddreg [dreg:$0x1];
	p0 =	sne.s32 s2, $0x0  }
0x111: {  	s3 =	rddreg [dreg:$0x2];
	[bflag:$0x3] =	sbarrier.arrive $0xFFFF;
	s2 =	simm.s32 @!p0 $0x1C02  }
0x112: {  	[timem:s3], [sflag:s2] =	dma.local @!p0 [hbm:s0], s1  }
0x113: {  	s0 =	simm.s32 @!p0 $0x2  }
0x114: {  	_ =	swait.ge @!p0 [sflag:s0], s1  }
0x115: {  	s1 =	ssub.s32 @!p0 $0x0, s1;
	[sflag:s0] =	ssyncset.done @!p0 $0x0  }
0x116: {  	[sflag:s0] =	ssyncadd.s32 @!p0 s1  }
0x117: {  	[bflag:$0x3] =	sbarrier.arrive $0xFFFF  }
0x118: {  	_ =	shalt  }

</sc_bundles>
